<compile_context>
chip_gen: v7x
topology: tpu7x:2x2x1
jax: 0.10.2.dev20260603
libtpu: 0.0.44.dev20260713+nightly
codegen_flags: <defaults>
</compile_context>

<pallas_src>
import functools

import jax
import jax.numpy as jnp
from jax import lax
from jax.experimental import pallas as pl
from jax.experimental.pallas import tpu as pltpu
from jax.experimental.pallas import tpu_sc as plsc

N = 2048
D = 768
G = 16
EPG = 4
E = G * EPG
NP = 2 * N
B = 128
NB = 96
LP = NB * B
NC, NS = 2, 16
NW = NC * NS
ALPHA = 0.01


def _routing_body(x_ref, mw_ref, mb_ref, rw_ref, rb_ref,
                  dst0_ref, dst1_ref, w0_ref, w1_ref, be_ref, bv_ref,
                  nbu_ref, aux_ref):
    x = x_ref[...]
    ml = jnp.dot(x, mw_ref[...], preferred_element_type=jnp.float32) + mb_ref[...]
    rl = jnp.dot(x, rw_ref[...], preferred_element_type=jnp.float32) + rb_ref[...]

    gi = lax.broadcasted_iota(jnp.int32, (N, G), 1)
    mv = jnp.max(ml, axis=1, keepdims=True)
    tg = jnp.min(jnp.where(ml == mv, gi, G), axis=1, keepdims=True)

    me = jnp.exp(ml - mv)
    mp = me / jnp.sum(me, axis=1, keepdims=True)
    f = jnp.sum(mp, axis=0, keepdims=True) * (1.0 / N)
    aux = ALPHA * G * jnp.sum(f * f, axis=1, keepdims=True)

    gm = (tg == gi).astype(jnp.float32)
    counts = jnp.sum(gm, axis=0, keepdims=True)

    rlj = [rl[:, G * j:G * (j + 1)] for j in range(EPG)]
    mj = jnp.maximum(jnp.maximum(rlj[0], rlj[1]), jnp.maximum(rlj[2], rlj[3]))
    ej = [jnp.exp(t - mj) for t in rlj]
    se = ej[0] + ej[1] + ej[2] + ej[3]
    lbsum = jnp.zeros((1, G), jnp.float32)
    glj = []
    for j in range(EPG):
        pj = ej[j] / se
        fgj = jnp.sum(pj * gm, axis=0, keepdims=True) / jnp.maximum(counts, 1.0)
        lbsum = lbsum + fgj * fgj
        glj.append(jnp.sum(rlj[j] * gm, axis=1, keepdims=True))
    lb = ALPHA * EPG * lbsum
    aux = aux + jnp.sum(jnp.where(counts > 0.0, lb, 0.0), axis=1, keepdims=True)

    v0 = jnp.maximum(jnp.maximum(glj[0], glj[1]), jnp.maximum(glj[2], glj[3]))
    e0 = jnp.where(glj[0] == v0, 0,
         jnp.where(glj[1] == v0, 1,
         jnp.where(glj[2] == v0, 2, 3))).astype(jnp.int32)
    neg = jnp.float32(-1e30)
    gmj = [jnp.where(e0 == j, neg, glj[j]) for j in range(EPG)]
    v1 = jnp.maximum(jnp.maximum(gmj[0], gmj[1]), jnp.maximum(gmj[2], gmj[3]))
    e1 = jnp.where(gmj[0] == v1, 0,
         jnp.where(gmj[1] == v1, 1,
         jnp.where(gmj[2] == v1, 2, 3))).astype(jnp.int32)
    t = jnp.exp(v1 - v0)
    w0 = 1.0 / (1.0 + t)
    w1 = t / (1.0 + t)
    w0_ref[...] = w0
    w1_ref[...] = w1
    aux_ref[...] = aux

    hi = jax.lax.Precision.HIGHEST
    eid0 = tg * EPG + e0
    eid1 = tg * EPG + e1
    eI = lax.broadcasted_iota(jnp.int32, (N, E), 1)
    oh0 = (eid0 == eI).astype(jnp.float32)
    oh1 = (eid1 == eI).astype(jnp.float32)
    ohs = oh0 + oh1
    countf = jnp.sum(ohs, axis=0, keepdims=True)
    pcf = (((countf.astype(jnp.int32) + B - 1) // B) * B).astype(jnp.float32)
    r64 = lax.broadcasted_iota(jnp.int32, (E, E), 0)
    c64 = lax.broadcasted_iota(jnp.int32, (E, E), 1)
    tl = (r64 < c64).astype(jnp.float32)
    pstart = jnp.dot(pcf, tl, preferred_element_type=jnp.float32, precision=hi)

    cb = 128
    rcb = lax.broadcasted_iota(jnp.int32, (cb, cb), 0)
    ccb = lax.broadcasted_iota(jnp.int32, (cb, cb), 1)
    lex = (rcb > ccb).astype(jnp.float32)
    runtot = jnp.zeros((1, E), jnp.float32)
    d0s, d1s = [], []
    for k in range(N // cb):
        sl = slice(cb * k, cb * (k + 1))
        ex = jnp.dot(lex, ohs[sl], preferred_element_type=jnp.float32,
                     precision=hi) + runtot + pstart
        d0s.append(jnp.sum(ex * oh0[sl], axis=1, keepdims=True))
        d1s.append(jnp.sum(ex * oh1[sl], axis=1, keepdims=True))
        runtot = runtot + jnp.sum(ohs[sl], axis=0, keepdims=True)
    dst0_ref[...] = jnp.concatenate(d0s, axis=0).astype(jnp.int32)
    dst1_ref[...] = jnp.concatenate(d1s, axis=0).astype(jnp.int32)

    bs = (lax.broadcasted_iota(jnp.int32, (NB, 1), 0) * B).astype(jnp.float32)
    cmp = (pstart <= bs).astype(jnp.float32)
    be = jnp.clip(jnp.sum(cmp, axis=1, keepdims=True) - 1.0, 0.0, E - 1.0)
    total = jnp.sum(pcf, axis=1, keepdims=True)
    used = (bs < total).astype(jnp.float32)
    lastm = (bs + B >= total).astype(jnp.float32) * used
    lastbe = jnp.sum(be * lastm, axis=0, keepdims=True)
    be_ref[...] = (be * used + lastbe * (1.0 - used)).astype(jnp.int32)
    bv_ref[...] = used.astype(jnp.int32)
    nbu_ref[...] = (total * (1.0 / B)).astype(jnp.int32)


_routing_call = pl.pallas_call(
    _routing_body,
    out_shape=(
        jax.ShapeDtypeStruct((N, 1), jnp.int32),
        jax.ShapeDtypeStruct((N, 1), jnp.int32),
        jax.ShapeDtypeStruct((N, 1), jnp.float32),
        jax.ShapeDtypeStruct((N, 1), jnp.float32),
        jax.ShapeDtypeStruct((NB, 1), jnp.int32),
        jax.ShapeDtypeStruct((NB, 1), jnp.int32),
        jax.ShapeDtypeStruct((1, 1), jnp.int32),
        jax.ShapeDtypeStruct((1, 1), jnp.float32),
    ),
)


def _dispatch_body(x_hbm, dst0_hbm, dst1_hbm, out_hbm, d0_v, d1_v, rows_v, sem):
    nt = N // NW
    wid = lax.axis_index("s") * NC + lax.axis_index("c")
    base = wid * nt
    pltpu.sync_copy(dst0_hbm.at[pl.ds(base, nt)], d0_v)
    pltpu.sync_copy(dst1_hbm.at[pl.ds(base, nt)], d1_v)
    pltpu.sync_copy(x_hbm.at[pl.ds(base, nt)], rows_v)
    c0 = pltpu.async_copy(rows_v, out_hbm.at[d0_v], sem)
    c1 = pltpu.async_copy(rows_v, out_hbm.at[d1_v], sem)
    c0.wait()
    c1.wait()


def _make_dispatch_sc():
    return pl.kernel(
        _dispatch_body,
        out_type=jax.ShapeDtypeStruct((LP, D), jnp.float32),
        mesh=plsc.VectorSubcoreMesh(core_axis_name="c", subcore_axis_name="s",
                                    num_cores=NC, num_subcores=NS),
        scratch_types=[
            pltpu.VMEM((N // NW,), jnp.int32),
            pltpu.VMEM((N // NW,), jnp.int32),
            pltpu.VMEM((N // NW, D), jnp.float32),
            pltpu.SemaphoreType.DMA,
        ],
    )


def _mlp_body(be_ref, bv_ref, nbu_ref, xs_ref, w1_ref, b1_ref, w2_ref, b2_ref,
              w3_ref, b3_ref, out_ref):
    @pl.when(bv_ref[pl.program_id(0)] == 1)
    def _():
        xb = xs_ref[...]
        h = jnp.dot(xb, w1_ref[0], preferred_element_type=jnp.float32) + b1_ref[0]
        h = jnp.maximum(h, 0.0)
        h = jnp.dot(h, w2_ref[0], preferred_element_type=jnp.float32) + b2_ref[0] + xb
        h = jnp.maximum(h, 0.0)
        out_ref[...] = jnp.dot(h, w3_ref[0], preferred_element_type=jnp.float32) + b3_ref[0]


def _expert_spec(shape):
    return pl.BlockSpec(shape, lambda b, be, bv, nbu: (be[b], 0, 0))


def _row_spec():
    return pl.BlockSpec((B, D), lambda b, be, bv, nbu: (jnp.minimum(b, nbu[0] - 1), 0))


_mlp_call = pl.pallas_call(
    _mlp_body,
    grid_spec=pltpu.PrefetchScalarGridSpec(
        num_scalar_prefetch=3,
        grid=(NB,),
        in_specs=[
            _row_spec(),
            _expert_spec((1, D, D)),
            _expert_spec((1, 1, D)),
            _expert_spec((1, D, D)),
            _expert_spec((1, 1, D)),
            _expert_spec((1, D, D)),
            _expert_spec((1, 1, D)),
        ],
        out_specs=_row_spec(),
    ),
    out_shape=jax.ShapeDtypeStruct((LP, D), jnp.float32),
)


def _combine_body(ys_hbm, p0_hbm, p1_hbm, a_hbm, b_hbm,
                  i0_v, i1_v, a_v, b_v, sem):
    nt = N // NW
    wid = lax.axis_index("s") * NC + lax.axis_index("c")
    base = wid * nt
    pltpu.sync_copy(p0_hbm.at[pl.ds(base, nt)], i0_v)
    pltpu.sync_copy(p1_hbm.at[pl.ds(base, nt)], i1_v)
    c0 = pltpu.async_copy(ys_hbm.at[i0_v], a_v, sem)
    c1 = pltpu.async_copy(ys_hbm.at[i1_v], b_v, sem)
    c0.wait()
    c1.wait()
    pltpu.sync_copy(a_v, a_hbm.at[pl.ds(base, nt)])
    pltpu.sync_copy(b_v, b_hbm.at[pl.ds(base, nt)])


def _make_combine_sc():
    return pl.kernel(
        _combine_body,
        out_type=(jax.ShapeDtypeStruct((N, D), jnp.float32),
                  jax.ShapeDtypeStruct((N, D), jnp.float32)),
        mesh=plsc.VectorSubcoreMesh(core_axis_name="c", subcore_axis_name="s",
                                    num_cores=NC, num_subcores=NS),
        scratch_types=[
            pltpu.VMEM((N // NW,), jnp.int32),
            pltpu.VMEM((N // NW,), jnp.int32),
            pltpu.VMEM((N // NW, D), jnp.float32),
            pltpu.VMEM((N // NW, D), jnp.float32),
            pltpu.SemaphoreType.DMA,
        ],
    )


def _wadd_body(a_ref, b_ref, w0_ref, w1_ref, out_ref):
    out_ref[...] = a_ref[...] * w0_ref[...] + b_ref[...] * w1_ref[...]


_WB = 256
_wadd_call = pl.pallas_call(
    _wadd_body,
    grid=(N // _WB,),
    in_specs=[
        pl.BlockSpec((_WB, D), lambda i: (i, 0)),
        pl.BlockSpec((_WB, D), lambda i: (i, 0)),
        pl.BlockSpec((_WB, 1), lambda i: (i, 0)),
        pl.BlockSpec((_WB, 1), lambda i: (i, 0)),
    ],
    out_specs=pl.BlockSpec((_WB, D), lambda i: (i, 0)),
    out_shape=jax.ShapeDtypeStruct((N, D), jnp.float32),
)


def kernel(x, meta_W, meta_b, router_W, router_b,
           fc1_W, fc1_b, fc2_W, fc2_b, fc3_W, fc3_b):
    rwf = jnp.transpose(router_W, (2, 0, 1)).reshape(E, D).T
    rbf = jnp.transpose(router_b, (1, 0)).reshape(1, E)
    mb = meta_b.reshape(1, G)

    dst0, dst1, w0, w1, be, bvalid, nbu, aux = _routing_call(x, meta_W, mb, rwf, rbf)

    xs = _make_dispatch_sc()(x, dst0.reshape(N), dst1.reshape(N))

    ys = _mlp_call(be.reshape(NB), bvalid.reshape(NB), nbu.reshape(1), xs,
                   fc1_W.reshape(E, D, D), fc1_b.reshape(E, 1, D),
                   fc2_W.reshape(E, D, D), fc2_b.reshape(E, 1, D),
                   fc3_W.reshape(E, D, D), fc3_b.reshape(E, 1, D))

    a, b = _make_combine_sc()(ys, dst0.reshape(N), dst1.reshape(N))
    out = _wadd_call(a, b, w0, w1)
    return out, aux.reshape(())

# --- scband reference (transcript-rebuilt; emitter-appended) ---
"""Pipeline reference for scband-hierarchical-mixture-of-experts-32684701123012 (READ-ONLY COPY).

The authoritative reference and input builder live on the scoring server;
editing this copy changes nothing except your own understanding.
"""

import jax, jax.numpy as jnp
import numpy as np

N = 2048
D = 768
H = 768
O = 768
G = 16
EPG = 4
TOPK = 2
ALPHA = 0.01


def setup_inputs(seed: int = 0) -> dict:
    key = jax.random.key(seed)
    ks = jax.random.split(key, 12)
    s = 0.02
    return {
        'x': jax.random.normal(ks[0], (N, D), dtype=jnp.float32),
        'meta_W': jax.random.normal(ks[1], (D, G), dtype=jnp.float32) * s,
        'meta_b': jnp.zeros((G,), jnp.float32),
        'router_W': jax.random.normal(ks[2], (G, D, EPG), dtype=jnp.float32) * s,
        'router_b': jnp.zeros((G, EPG), jnp.float32),
        'fc1_W': jax.random.normal(ks[3], (G, EPG, D, H), dtype=jnp.float32) * s,
        'fc1_b': jnp.zeros((G, EPG, H), jnp.float32),
        'fc2_W': jax.random.normal(ks[4], (G, EPG, H, H), dtype=jnp.float32) * s,
        'fc2_b': jnp.zeros((G, EPG, H), jnp.float32),
        'fc3_W': jax.random.normal(ks[5], (G, EPG, H, O), dtype=jnp.float32) * s,
        'fc3_b': jnp.zeros((G, EPG, O), jnp.float32),
    }


def _lb_loss(logits):
    probs = jax.nn.softmax(logits, axis=1)
    f = probs.mean(axis=0)
    return ALPHA * logits.shape[1] * jnp.sum(f * f)


def reference(x, meta_W, meta_b, router_W, router_b, fc1_W, fc1_b, fc2_W, fc2_b, fc3_W, fc3_b):
    # meta routing (top-1 group per token)
    meta_logits = x @ meta_W + meta_b
    top_group = jnp.argmax(meta_logits, axis=1)
    aux = _lb_loss(meta_logits)
    out = jnp.zeros((x.shape[0], O), jnp.float32)
    for g in range(G):
        gmask = top_group == g
        gmaskf = gmask.astype(jnp.float32)
        count = jnp.sum(gmaskf)
        logits = x @ router_W[g] + router_b[g]
        probs = jax.nn.softmax(logits, axis=1)
        f = jnp.sum(probs * gmaskf[:, None], axis=0) / jnp.maximum(count, 1.0)
        lb = ALPHA * logits.shape[1] * jnp.sum(f * f)
        aux = aux + jnp.where(count > 0, lb, jnp.float32(0.0))
        topk_idx = jnp.argsort(-logits, axis=1)[:, :TOPK]
        topk_vals = jnp.take_along_axis(logits, topk_idx, axis=1)
        w = jax.nn.softmax(topk_vals, axis=1)
        gout = jnp.zeros((x.shape[0], O), jnp.float32)
        for k in range(TOPK):
            eidx = topk_idx[:, k]
            for e in range(EPG):
                smaskf = (gmask & (eidx == e)).astype(jnp.float32)
                h = jax.nn.relu(x @ fc1_W[g, e] + fc1_b[g, e])
                # dropout is identity in eval mode
                h = h @ fc2_W[g, e] + fc2_b[g, e] + x  # residual, projection is None since D==H
                h = jax.nn.relu(h)
                eo = h @ fc3_W[g, e] + fc3_b[g, e]
                gout = gout + smaskf[:, None] * (eo * w[:, k][:, None])
        out = jnp.where(gmask[:, None], gout, out)
    return out, aux

if __name__ == "__main__":
    import jax
    _d = setup_inputs()
    print(jax.jit(kernel)(*tuple(_d.values())))

</pallas_src>

<mosaic_0001>
#map = affine_map<(d0, d1) -> (0, 0)>
#map1 = affine_map<(d0, d1) -> (0)>
module attributes {stable_mosaic.version = 14 : i64} {
  func.func @_dispatch_body(%arg0: i32, %arg1: i32, %arg2: memref<2048x768xf32, #tpu.memory_space<hbm>>, %arg3: memref<2048xi32, #tpu.memory_space<hbm>>, %arg4: memref<2048xi32, #tpu.memory_space<hbm>>, %arg5: memref<12288x768xf32, #tpu.memory_space<hbm>>, %arg6: memref<64xi32, #tpu.memory_space<vmem>>, %arg7: memref<64xi32, #tpu.memory_space<vmem>>, %arg8: memref<64x768xf32, #tpu.memory_space<vmem>>, %arg9: memref<!tpu.dma_semaphore, #tpu.memory_space<semaphore_mem>>) attributes {dimension_semantics = [#tpu.dimension_semantics<core_parallel>, #tpu.dimension_semantics<subcore_parallel>], iteration_bounds = array<i64: 2, 16>, scalar_prefetch = 0 : i64, scratch_operands = 4 : i64, tpu.core_type = #tpu.core_type<sc_vector_subcore>, window_params = [{transform_indices = #map}, {transform_indices = #map1}, {transform_indices = #map1}, {transform_indices = #map}]} {
    %mul3A = arith.constant 2 : i32
    %mul3A_0 = arith.muli %arg1, %mul3A : i32
    %add3A = arith.addi %mul3A_0, %arg0 : i32
    %mul3A_1 = arith.constant 64 : i32
    %mul3A_2 = arith.muli %add3A, %mul3A_1 : i32
    "tpu.region"() ({
      %run_scoped3A = tpu.sem_alloc : memref<!tpu.dma_semaphore, #tpu.memory_space<semaphore_mem>>
      %dma_start3A_13 = tpu.memref_slice %arg3[%mul3A_2] : memref<2048xi32, #tpu.memory_space<hbm>> -> memref<64xi32, #tpu.memory_space<hbm>>
      %dma_start3A_14 = tpu.memref_slice %arg3[%mul3A_2] : memref<2048xi32, #tpu.memory_space<hbm>> -> memref<64xi32, #tpu.memory_space<hbm>>
      tpu.enqueue_dma source(%dma_start3A_14 : memref<64xi32, #tpu.memory_space<hbm>>) target(%arg6 : memref<64xi32, #tpu.memory_space<vmem>>) target_semaphore(%run_scoped3A : memref<!tpu.dma_semaphore, #tpu.memory_space<semaphore_mem>>)
      %dma_wait3A_15 = tpu.memref_slice %arg3[%mul3A_2] : memref<2048xi32, #tpu.memory_space<hbm>> -> memref<64xi32, #tpu.memory_space<hbm>>
      %dma_wait3A_16 = tpu.memref_slice %arg3[%mul3A_2] : memref<2048xi32, #tpu.memory_space<hbm>> -> memref<64xi32, #tpu.memory_space<hbm>>
      tpu.wait_dma2 semaphore(%run_scoped3A : memref<!tpu.dma_semaphore, #tpu.memory_space<semaphore_mem>>) src(%dma_wait3A_16 : memref<64xi32, #tpu.memory_space<hbm>>) dst(%arg6 : memref<64xi32, #tpu.memory_space<vmem>>)
      tpu.yield
    }) : () -> ()
    "tpu.region"() ({
      %run_scoped3A = tpu.sem_alloc : memref<!tpu.dma_semaphore, #tpu.memory_space<semaphore_mem>>
      %dma_start3A_13 = tpu.memref_slice %arg4[%mul3A_2] : memref<2048xi32, #tpu.memory_space<hbm>> -> memref<64xi32, #tpu.memory_space<hbm>>
      %dma_start3A_14 = tpu.memref_slice %arg4[%mul3A_2] : memref<2048xi32, #tpu.memory_space<hbm>> -> memref<64xi32, #tpu.memory_space<hbm>>
      tpu.enqueue_dma source(%dma_start3A_14 : memref<64xi32, #tpu.memory_space<hbm>>) target(%arg7 : memref<64xi32, #tpu.memory_space<vmem>>) target_semaphore(%run_scoped3A : memref<!tpu.dma_semaphore, #tpu.memory_space<semaphore_mem>>)
      %dma_wait3A_15 = tpu.memref_slice %arg4[%mul3A_2] : memref<2048xi32, #tpu.memory_space<hbm>> -> memref<64xi32, #tpu.memory_space<hbm>>
      %dma_wait3A_16 = tpu.memref_slice %arg4[%mul3A_2] : memref<2048xi32, #tpu.memory_space<hbm>> -> memref<64xi32, #tpu.memory_space<hbm>>
      tpu.wait_dma2 semaphore(%run_scoped3A : memref<!tpu.dma_semaphore, #tpu.memory_space<semaphore_mem>>) src(%dma_wait3A_16 : memref<64xi32, #tpu.memory_space<hbm>>) dst(%arg7 : memref<64xi32, #tpu.memory_space<vmem>>)
      tpu.yield
    }) : () -> ()
    "tpu.region"() ({
      %run_scoped3A = tpu.sem_alloc : memref<!tpu.dma_semaphore, #tpu.memory_space<semaphore_mem>>
      %dma_start3A_13 = arith.constant 0 : i32
      %dma_start3A_14 = tpu.memref_slice %arg2[%mul3A_2, %dma_start3A_13] : memref<2048x768xf32, #tpu.memory_space<hbm>> -> memref<64x768xf32, #tpu.memory_space<hbm>>
      %dma_start3A_15 = arith.constant 0 : i32
      %dma_start3A_16 = tpu.memref_slice %arg2[%mul3A_2, %dma_start3A_15] : memref<2048x768xf32, #tpu.memory_space<hbm>> -> memref<64x768xf32, #tpu.memory_space<hbm>>
      tpu.enqueue_dma source(%dma_start3A_16 : memref<64x768xf32, #tpu.memory_space<hbm>>) target(%arg8 : memref<64x768xf32, #tpu.memory_space<vmem>>) target_semaphore(%run_scoped3A : memref<!tpu.dma_semaphore, #tpu.memory_space<semaphore_mem>>)
      %dma_wait3A_17 = arith.constant 0 : i32
      %dma_wait3A_18 = tpu.memref_slice %arg2[%mul3A_2, %dma_wait3A_17] : memref<2048x768xf32, #tpu.memory_space<hbm>> -> memref<64x768xf32, #tpu.memory_space<hbm>>
      %dma_wait3A_19 = arith.constant 0 : i32
      %dma_wait3A_20 = tpu.memref_slice %arg2[%mul3A_2, %dma_wait3A_19] : memref<2048x768xf32, #tpu.memory_space<hbm>> -> memref<64x768xf32, #tpu.memory_space<hbm>>
      tpu.wait_dma2 semaphore(%run_scoped3A : memref<!tpu.dma_semaphore, #tpu.memory_space<semaphore_mem>>) src(%dma_wait3A_20 : memref<64x768xf32, #tpu.memory_space<hbm>>) dst(%arg8 : memref<64x768xf32, #tpu.memory_space<vmem>>)
      tpu.yield
    }) : () -> ()
    %dma_start3A = arith.constant 0 : i32
    %dma_start3A_3 = arith.constant 0 : i32
    %dma_start3A_4 = tpu.memref_slice %arg5[%dma_start3A, %dma_start3A_3] : memref<12288x768xf32, #tpu.memory_space<hbm>> -> memref<12288x768xf32, #tpu.memory_space<hbm>>
    tpu.enqueue_indirect_dma source(%arg8 : memref<64x768xf32, #tpu.memory_space<vmem>>) target(%dma_start3A_4 : memref<12288x768xf32, #tpu.memory_space<hbm>>) offsets(%arg6 : memref<64xi32, #tpu.memory_space<vmem>>) semaphore(%arg9 : memref<!tpu.dma_semaphore, #tpu.memory_space<semaphore_mem>>)
    %dma_start3A_5 = arith.constant 0 : i32
    %dma_start3A_6 = arith.constant 0 : i32
    %dma_start3A_7 = tpu.memref_slice %arg5[%dma_start3A_5, %dma_start3A_6] : memref<12288x768xf32, #tpu.memory_space<hbm>> -> memref<12288x768xf32, #tpu.memory_space<hbm>>
    tpu.enqueue_indirect_dma source(%arg8 : memref<64x768xf32, #tpu.memory_space<vmem>>) target(%dma_start3A_7 : memref<12288x768xf32, #tpu.memory_space<hbm>>) offsets(%arg7 : memref<64xi32, #tpu.memory_space<vmem>>) semaphore(%arg9 : memref<!tpu.dma_semaphore, #tpu.memory_space<semaphore_mem>>)
    %dma_wait3A = arith.constant 0 : i32
    %dma_wait3A_8 = arith.constant 0 : i32
    %dma_wait3A_9 = tpu.memref_slice %arg5[%dma_wait3A, %dma_wait3A_8] : memref<12288x768xf32, #tpu.memory_space<hbm>> -> memref<12288x768xf32, #tpu.memory_space<hbm>>
    tpu.wait_indirect_dma semaphore(%arg9 : memref<!tpu.dma_semaphore, #tpu.memory_space<semaphore_mem>>) src(%arg8 : memref<64x768xf32, #tpu.memory_space<vmem>>) dst(%dma_wait3A_9 : memref<12288x768xf32, #tpu.memory_space<hbm>>)
    %dma_wait3A_10 = arith.constant 0 : i32
    %dma_wait3A_11 = arith.constant 0 : i32
    %dma_wait3A_12 = tpu.memref_slice %arg5[%dma_wait3A_10, %dma_wait3A_11] : memref<12288x768xf32, #tpu.memory_space<hbm>> -> memref<12288x768xf32, #tpu.memory_space<hbm>>
    tpu.wait_indirect_dma semaphore(%arg9 : memref<!tpu.dma_semaphore, #tpu.memory_space<semaphore_mem>>) src(%arg8 : memref<64x768xf32, #tpu.memory_space<vmem>>) dst(%dma_wait3A_12 : memref<12288x768xf32, #tpu.memory_space<hbm>>)
    return
  }
}

#map = affine_map<(d0, d1) -> (0, 0)>
#map1 = affine_map<(d0, d1) -> (0)>
module attributes {stable_mosaic.version = 14 : i64} {
  func.func @_combine_body(%arg0: i32, %arg1: i32, %arg2: memref<12288x768xf32, #tpu.memory_space<hbm>>, %arg3: memref<2048xi32, #tpu.memory_space<hbm>>, %arg4: memref<2048xi32, #tpu.memory_space<hbm>>, %arg5: memref<2048x768xf32, #tpu.memory_space<hbm>>, %arg6: memref<2048x768xf32, #tpu.memory_space<hbm>>, %arg7: memref<64xi32, #tpu.memory_space<vmem>>, %arg8: memref<64xi32, #tpu.memory_space<vmem>>, %arg9: memref<64x768xf32, #tpu.memory_space<vmem>>, %arg10: memref<64x768xf32, #tpu.memory_space<vmem>>, %arg11: memref<!tpu.dma_semaphore, #tpu.memory_space<semaphore_mem>>) attributes {dimension_semantics = [#tpu.dimension_semantics<core_parallel>, #tpu.dimension_semantics<subcore_parallel>], iteration_bounds = array<i64: 2, 16>, scalar_prefetch = 0 : i64, scratch_operands = 5 : i64, tpu.core_type = #tpu.core_type<sc_vector_subcore>, window_params = [{transform_indices = #map}, {transform_indices = #map1}, {transform_indices = #map1}, {transform_indices = #map}, {transform_indices = #map}]} {
    %mul3A = arith.constant 2 : i32
    %mul3A_0 = arith.muli %arg1, %mul3A : i32
    %add3A = arith.addi %mul3A_0, %arg0 : i32
    %mul3A_1 = arith.constant 64 : i32
    %mul3A_2 = arith.muli %add3A, %mul3A_1 : i32
    "tpu.region"() ({
      %run_scoped3A = tpu.sem_alloc : memref<!tpu.dma_semaphore, #tpu.memory_space<semaphore_mem>>
      %dma_start3A_13 = tpu.memref_slice %arg3[%mul3A_2] : memref<2048xi32, #tpu.memory_space<hbm>> -> memref<64xi32, #tpu.memory_space<hbm>>
      %dma_start3A_14 = tpu.memref_slice %arg3[%mul3A_2] : memref<2048xi32, #tpu.memory_space<hbm>> -> memref<64xi32, #tpu.memory_space<hbm>>
      tpu.enqueue_dma source(%dma_start3A_14 : memref<64xi32, #tpu.memory_space<hbm>>) target(%arg7 : memref<64xi32, #tpu.memory_space<vmem>>) target_semaphore(%run_scoped3A : memref<!tpu.dma_semaphore, #tpu.memory_space<semaphore_mem>>)
      %dma_wait3A_15 = tpu.memref_slice %arg3[%mul3A_2] : memref<2048xi32, #tpu.memory_space<hbm>> -> memref<64xi32, #tpu.memory_space<hbm>>
      %dma_wait3A_16 = tpu.memref_slice %arg3[%mul3A_2] : memref<2048xi32, #tpu.memory_space<hbm>> -> memref<64xi32, #tpu.memory_space<hbm>>
      tpu.wait_dma2 semaphore(%run_scoped3A : memref<!tpu.dma_semaphore, #tpu.memory_space<semaphore_mem>>) src(%dma_wait3A_16 : memref<64xi32, #tpu.memory_space<hbm>>) dst(%arg7 : memref<64xi32, #tpu.memory_space<vmem>>)
      tpu.yield
    }) : () -> ()
    "tpu.region"() ({
      %run_scoped3A = tpu.sem_alloc : memref<!tpu.dma_semaphore, #tpu.memory_space<semaphore_mem>>
      %dma_start3A_13 = tpu.memref_slice %arg4[%mul3A_2] : memref<2048xi32, #tpu.memory_space<hbm>> -> memref<64xi32, #tpu.memory_space<hbm>>
      %dma_start3A_14 = tpu.memref_slice %arg4[%mul3A_2] : memref<2048xi32, #tpu.memory_space<hbm>> -> memref<64xi32, #tpu.memory_space<hbm>>
      tpu.enqueue_dma source(%dma_start3A_14 : memref<64xi32, #tpu.memory_space<hbm>>) target(%arg8 : memref<64xi32, #tpu.memory_space<vmem>>) target_semaphore(%run_scoped3A : memref<!tpu.dma_semaphore, #tpu.memory_space<semaphore_mem>>)
      %dma_wait3A_15 = tpu.memref_slice %arg4[%mul3A_2] : memref<2048xi32, #tpu.memory_space<hbm>> -> memref<64xi32, #tpu.memory_space<hbm>>
      %dma_wait3A_16 = tpu.memref_slice %arg4[%mul3A_2] : memref<2048xi32, #tpu.memory_space<hbm>> -> memref<64xi32, #tpu.memory_space<hbm>>
      tpu.wait_dma2 semaphore(%run_scoped3A : memref<!tpu.dma_semaphore, #tpu.memory_space<semaphore_mem>>) src(%dma_wait3A_16 : memref<64xi32, #tpu.memory_space<hbm>>) dst(%arg8 : memref<64xi32, #tpu.memory_space<vmem>>)
      tpu.yield
    }) : () -> ()
    %dma_start3A = arith.constant 0 : i32
    %dma_start3A_3 = arith.constant 0 : i32
    %dma_start3A_4 = tpu.memref_slice %arg2[%dma_start3A, %dma_start3A_3] : memref<12288x768xf32, #tpu.memory_space<hbm>> -> memref<12288x768xf32, #tpu.memory_space<hbm>>
    tpu.enqueue_indirect_dma source(%dma_start3A_4 : memref<12288x768xf32, #tpu.memory_space<hbm>>) target(%arg9 : memref<64x768xf32, #tpu.memory_space<vmem>>) offsets(%arg7 : memref<64xi32, #tpu.memory_space<vmem>>) semaphore(%arg11 : memref<!tpu.dma_semaphore, #tpu.memory_space<semaphore_mem>>)
    %dma_start3A_5 = arith.constant 0 : i32
    %dma_start3A_6 = arith.constant 0 : i32
    %dma_start3A_7 = tpu.memref_slice %arg2[%dma_start3A_5, %dma_start3A_6] : memref<12288x768xf32, #tpu.memory_space<hbm>> -> memref<12288x768xf32, #tpu.memory_space<hbm>>
    tpu.enqueue_indirect_dma source(%dma_start3A_7 : memref<12288x768xf32, #tpu.memory_space<hbm>>) target(%arg10 : memref<64x768xf32, #tpu.memory_space<vmem>>) offsets(%arg8 : memref<64xi32, #tpu.memory_space<vmem>>) semaphore(%arg11 : memref<!tpu.dma_semaphore, #tpu.memory_space<semaphore_mem>>)
    %dma_wait3A = arith.constant 0 : i32
    %dma_wait3A_8 = arith.constant 0 : i32
    %dma_wait3A_9 = tpu.memref_slice %arg2[%dma_wait3A, %dma_wait3A_8] : memref<12288x768xf32, #tpu.memory_space<hbm>> -> memref<12288x768xf32, #tpu.memory_space<hbm>>
    tpu.wait_indirect_dma semaphore(%arg11 : memref<!tpu.dma_semaphore, #tpu.memory_space<semaphore_mem>>) src(%dma_wait3A_9 : memref<12288x768xf32, #tpu.memory_space<hbm>>) dst(%arg9 : memref<64x768xf32, #tpu.memory_space<vmem>>)
    %dma_wait3A_10 = arith.constant 0 : i32
    %dma_wait3A_11 = arith.constant 0 : i32
    %dma_wait3A_12 = tpu.memref_slice %arg2[%dma_wait3A_10, %dma_wait3A_11] : memref<12288x768xf32, #tpu.memory_space<hbm>> -> memref<12288x768xf32, #tpu.memory_space<hbm>>
    tpu.wait_indirect_dma semaphore(%arg11 : memref<!tpu.dma_semaphore, #tpu.memory_space<semaphore_mem>>) src(%dma_wait3A_12 : memref<12288x768xf32, #tpu.memory_space<hbm>>) dst(%arg10 : memref<64x768xf32, #tpu.memory_space<vmem>>)
    "tpu.region"() ({
      %run_scoped3A = tpu.sem_alloc : memref<!tpu.dma_semaphore, #tpu.memory_space<semaphore_mem>>
      %dma_start3A_13 = arith.constant 0 : i32
      %dma_start3A_14 = tpu.memref_slice %arg5[%mul3A_2, %dma_start3A_13] : memref<2048x768xf32, #tpu.memory_space<hbm>> -> memref<64x768xf32, #tpu.memory_space<hbm>>
      %dma_start3A_15 = arith.constant 0 : i32
      %dma_start3A_16 = tpu.memref_slice %arg5[%mul3A_2, %dma_start3A_15] : memref<2048x768xf32, #tpu.memory_space<hbm>> -> memref<64x768xf32, #tpu.memory_space<hbm>>
      tpu.enqueue_dma source(%arg9 : memref<64x768xf32, #tpu.memory_space<vmem>>) target(%dma_start3A_16 : memref<64x768xf32, #tpu.memory_space<hbm>>) target_semaphore(%run_scoped3A : memref<!tpu.dma_semaphore, #tpu.memory_space<semaphore_mem>>)
      %dma_wait3A_17 = arith.constant 0 : i32
      %dma_wait3A_18 = tpu.memref_slice %arg5[%mul3A_2, %dma_wait3A_17] : memref<2048x768xf32, #tpu.memory_space<hbm>> -> memref<64x768xf32, #tpu.memory_space<hbm>>
      %dma_wait3A_19 = arith.constant 0 : i32
      %dma_wait3A_20 = tpu.memref_slice %arg5[%mul3A_2, %dma_wait3A_19] : memref<2048x768xf32, #tpu.memory_space<hbm>> -> memref<64x768xf32, #tpu.memory_space<hbm>>
      tpu.wait_dma2 semaphore(%run_scoped3A : memref<!tpu.dma_semaphore, #tpu.memory_space<semaphore_mem>>) src(%arg9 : memref<64x768xf32, #tpu.memory_space<vmem>>) dst(%dma_wait3A_20 : memref<64x768xf32, #tpu.memory_space<hbm>>)
      tpu.yield
    }) : () -> ()
    "tpu.region"() ({
      %run_scoped3A = tpu.sem_alloc : memref<!tpu.dma_semaphore, #tpu.memory_space<semaphore_mem>>
      %dma_start3A_13 = arith.constant 0 : i32
      %dma_start3A_14 = tpu.memref_slice %arg6[%mul3A_2, %dma_start3A_13] : memref<2048x768xf32, #tpu.memory_space<hbm>> -> memref<64x768xf32, #tpu.memory_space<hbm>>
      %dma_start3A_15 = arith.constant 0 : i32
      %dma_start3A_16 = tpu.memref_slice %arg6[%mul3A_2, %dma_start3A_15] : memref<2048x768xf32, #tpu.memory_space<hbm>> -> memref<64x768xf32, #tpu.memory_space<hbm>>
      tpu.enqueue_dma source(%arg10 : memref<64x768xf32, #tpu.memory_space<vmem>>) target(%dma_start3A_16 : memref<64x768xf32, #tpu.memory_space<hbm>>) target_semaphore(%run_scoped3A : memref<!tpu.dma_semaphore, #tpu.memory_space<semaphore_mem>>)
      %dma_wait3A_17 = arith.constant 0 : i32
      %dma_wait3A_18 = tpu.memref_slice %arg6[%mul3A_2, %dma_wait3A_17] : memref<2048x768xf32, #tpu.memory_space<hbm>> -> memref<64x768xf32, #tpu.memory_space<hbm>>
      %dma_wait3A_19 = arith.constant 0 : i32
      %dma_wait3A_20 = tpu.memref_slice %arg6[%mul3A_2, %dma_wait3A_19] : memref<2048x768xf32, #tpu.memory_space<hbm>> -> memref<64x768xf32, #tpu.memory_space<hbm>>
      tpu.wait_dma2 semaphore(%run_scoped3A : memref<!tpu.dma_semaphore, #tpu.memory_space<semaphore_mem>>) src(%arg10 : memref<64x768xf32, #tpu.memory_space<vmem>>) dst(%dma_wait3A_20 : memref<64x768xf32, #tpu.memory_space<hbm>>)
      tpu.yield
    }) : () -> ()
    return
  }
}

module attributes {stable_mosaic.version = 14 : i64} {
  func.func @_routing_body(%arg0: memref<2048x768xf32, #tpu.memory_space<vmem>>, %arg1: memref<768x16xf32, #tpu.memory_space<vmem>>, %arg2: memref<1x16xf32, #tpu.memory_space<vmem>>, %arg3: memref<768x64xf32, #tpu.memory_space<vmem>>, %arg4: memref<1x64xf32, #tpu.memory_space<vmem>>, %arg5: memref<2048x1xi32, #tpu.memory_space<vmem>>, %arg6: memref<2048x1xi32, #tpu.memory_space<vmem>>, %arg7: memref<2048x1xf32, #tpu.memory_space<vmem>>, %arg8: memref<2048x1xf32, #tpu.memory_space<vmem>>, %arg9: memref<96x1xi32, #tpu.memory_space<vmem>>, %arg10: memref<96x1xi32, #tpu.memory_space<vmem>>, %arg11: memref<1x1xi32, #tpu.memory_space<vmem>>, %arg12: memref<1x1xf32, #tpu.memory_space<vmem>>) attributes {dimension_semantics = [], scalar_prefetch = 0 : i64, scratch_operands = 0 : i64, tpu.core_type = #tpu.core_type<tc>} {
    %get3A = arith.constant 0 : index
    %get3A_0 = arith.constant 0 : index
    %get3A_1 = vector.load %arg0[%get3A, %get3A_0] : memref<2048x768xf32, #tpu.memory_space<vmem>>, vector<2048x768xf32>
    %get3A_2 = arith.constant 0 : index
    %get3A_3 = arith.constant 0 : index
    %get3A_4 = vector.load %arg1[%get3A_2, %get3A_3] : memref<768x16xf32, #tpu.memory_space<vmem>>, vector<768x16xf32>
    %dot_general3A = arith.constant dense<0.000000e+00> : vector<2048x16xf32>
    %dot_general3A_5 = tpu.matmul %get3A_1, %get3A_4, %dot_general3A {dimension_numbers = #tpu.dot_dimension_numbers<[1], [0], [0], [1], [0, 0, 1, 1], [], []>, transpose_lhs_hint = false} : vector<2048x768xf32>, vector<768x16xf32>, vector<2048x16xf32> -> vector<2048x16xf32>
    %get3A_6 = arith.constant 0 : index
    %get3A_7 = arith.constant 0 : index
    %get3A_8 = vector.load %arg2[%get3A_6, %get3A_7] : memref<1x16xf32, #tpu.memory_space<vmem>>, vector<1x16xf32>
    %add3A = vector.broadcast %get3A_8 : vector<1x16xf32> to vector<2048x16xf32>
    %add3A_9 = arith.addf %dot_general3A_5, %add3A : vector<2048x16xf32>
    %get3A_10 = arith.constant 0 : index
    %get3A_11 = arith.constant 0 : index
    %get3A_12 = vector.load %arg3[%get3A_10, %get3A_11] : memref<768x64xf32, #tpu.memory_space<vmem>>, vector<768x64xf32>
    %dot_general3A_13 = arith.constant dense<0.000000e+00> : vector<2048x64xf32>
    %dot_general3A_14 = tpu.matmul %get3A_1, %get3A_12, %dot_general3A_13 {dimension_numbers = #tpu.dot_dimension_numbers<[1], [0], [0], [1], [0, 0, 1, 1], [], []>, transpose_lhs_hint = false} : vector<2048x768xf32>, vector<768x64xf32>, vector<2048x64xf32> -> vector<2048x64xf32>
    %get3A_15 = arith.constant 0 : index
    %get3A_16 = arith.constant 0 : index
    %get3A_17 = vector.load %arg4[%get3A_15, %get3A_16] : memref<1x64xf32, #tpu.memory_space<vmem>>, vector<1x64xf32>
    %add3A_18 = vector.broadcast %get3A_17 : vector<1x64xf32> to vector<2048x64xf32>
    %add3A_19 = arith.addf %dot_general3A_14, %add3A_18 : vector<2048x64xf32>
    %iota3A = tpu.iota {dimensions = array<i32: 1>} : vector<2048x16xi32>
    %reduce_max3A = arith.constant dense<0xFF800000> : vector<2048xf32>
    %reduce_max3A_20 = vector.multi_reduction <maximumf>, %add3A_9, %reduce_max3A [1] : vector<2048x16xf32> to vector<2048xf32>
    %broadcast_in_dim3A = vector.shape_cast %reduce_max3A_20 : vector<2048xf32> to vector<2048x1xf32>
    %eq3A = vector.broadcast %broadcast_in_dim3A : vector<2048x1xf32> to vector<2048x16xf32>
    %eq3A_21 = arith.cmpf oeq, %add3A_9, %eq3A : vector<2048x16xf32>
    %jit3A = arith.constant 16 : i32
    %broadcast_in_dim3A_22 = vector.broadcast %jit3A : i32 to vector<2048x16xi32>
    %select_n3A = arith.select %eq3A_21, %iota3A, %broadcast_in_dim3A_22 : vector<2048x16xi1>, vector<2048x16xi32>
    %reduce_min3A = arith.constant dense<2147483647> : vector<2048xi32>
    %reduce_min3A_23 = vector.multi_reduction <minsi>, %select_n3A, %reduce_min3A [1] : vector<2048x16xi32> to vector<2048xi32>
    %broadcast_in_dim3A_24 = vector.shape_cast %reduce_min3A_23 : vector<2048xi32> to vector<2048x1xi32>
    %sub3A = vector.broadcast %broadcast_in_dim3A : vector<2048x1xf32> to vector<2048x16xf32>
    %sub3A_25 = arith.subf %add3A_9, %sub3A : vector<2048x16xf32>
    %exp3A = math.exp %sub3A_25 : vector<2048x16xf32>
    %reduce_sum3A = arith.constant dense<0.000000e+00> : vector<2048xf32>
    %reduce_sum3A_26 = vector.multi_reduction <add>, %exp3A, %reduce_sum3A [1] : vector<2048x16xf32> to vector<2048xf32>
    %broadcast_in_dim3A_27 = vector.shape_cast %reduce_sum3A_26 : vector<2048xf32> to vector<2048x1xf32>
    %div3A = vector.broadcast %broadcast_in_dim3A_27 : vector<2048x1xf32> to vector<2048x16xf32>
    %div3A_28 = arith.divf %exp3A, %div3A : vector<2048x16xf32>
    %reduce_sum3A_29 = arith.constant dense<0.000000e+00> : vector<16xf32>
    %reduce_sum3A_30 = vector.multi_reduction <add>, %div3A_28, %reduce_sum3A_29 [0] : vector<2048x16xf32> to vector<16xf32>
    %broadcast_in_dim3A_31 = vector.shape_cast %reduce_sum3A_30 : vector<16xf32> to vector<1x16xf32>
    %mul3A = arith.constant 4.8828125E-4 : f32
    %mul3A_32 = vector.broadcast %mul3A : f32 to vector<1x16xf32>
    %mul3A_33 = arith.mulf %broadcast_in_dim3A_31, %mul3A_32 : vector<1x16xf32>
    %mul3A_34 = arith.mulf %mul3A_33, %mul3A_33 : vector<1x16xf32>
    %reduce_sum3A_35 = arith.constant dense<0.000000e+00> : vector<1xf32>
    %reduce_sum3A_36 = vector.multi_reduction <add>, %mul3A_34, %reduce_sum3A_35 [1] : vector<1x16xf32> to vector<1xf32>
    %broadcast_in_dim3A_37 = vector.shape_cast %reduce_sum3A_36 : vector<1xf32> to vector<1x1xf32>
    %mul3A_38 = arith.constant 1.600000e-01 : f32
    %mul3A_39 = vector.broadcast %mul3A_38 : f32 to vector<1x1xf32>
    %mul3A_40 = arith.mulf %mul3A_39, %broadcast_in_dim3A_37 : vector<1x1xf32>
    %eq3A_41 = vector.broadcast %broadcast_in_dim3A_24 : vector<2048x1xi32> to vector<2048x16xi32>
    %eq3A_42 = arith.cmpi eq, %eq3A_41, %iota3A : vector<2048x16xi32>
    %convert_element_type3A = arith.extui %eq3A_42 : vector<2048x16xi1> to vector<2048x16xi32>
    %convert_element_type3A_43 = arith.sitofp %convert_element_type3A : vector<2048x16xi32> to vector<2048x16xf32>
    %reduce_sum3A_44 = arith.constant dense<0.000000e+00> : vector<16xf32>
    %reduce_sum3A_45 = vector.multi_reduction <add>, %convert_element_type3A_43, %reduce_sum3A_44 [0] : vector<2048x16xf32> to vector<16xf32>
    %broadcast_in_dim3A_46 = vector.shape_cast %reduce_sum3A_45 : vector<16xf32> to vector<1x16xf32>
    %slice3A = vector.extract_strided_slice %add3A_19 {offsets = [0, 0], sizes = [2048, 16], strides = [1, 1]} : vector<2048x64xf32> to vector<2048x16xf32>
    %slice3A_47 = vector.extract_strided_slice %add3A_19 {offsets = [0, 16], sizes = [2048, 16], strides = [1, 1]} : vector<2048x64xf32> to vector<2048x16xf32>
    %slice3A_48 = vector.extract_strided_slice %add3A_19 {offsets = [0, 32], sizes = [2048, 16], strides = [1, 1]} : vector<2048x64xf32> to vector<2048x16xf32>
    %slice3A_49 = vector.extract_strided_slice %add3A_19 {offsets = [0, 48], sizes = [2048, 16], strides = [1, 1]} : vector<2048x64xf32> to vector<2048x16xf32>
    %max3A = arith.maximumf %slice3A, %slice3A_47 : vector<2048x16xf32>
    %max3A_50 = arith.maximumf %slice3A_48, %slice3A_49 : vector<2048x16xf32>
    %max3A_51 = arith.maximumf %max3A, %max3A_50 : vector<2048x16xf32>
    %sub3A_52 = arith.subf %slice3A, %max3A_51 : vector<2048x16xf32>
    %exp3A_53 = math.exp %sub3A_52 : vector<2048x16xf32>
    %sub3A_54 = arith.subf %slice3A_47, %max3A_51 : vector<2048x16xf32>
    %exp3A_55 = math.exp %sub3A_54 : vector<2048x16xf32>
    %sub3A_56 = arith.subf %slice3A_48, %max3A_51 : vector<2048x16xf32>
    %exp3A_57 = math.exp %sub3A_56 : vector<2048x16xf32>
    %sub3A_58 = arith.subf %slice3A_49, %max3A_51 : vector<2048x16xf32>
    %exp3A_59 = math.exp %sub3A_58 : vector<2048x16xf32>
    %add3A_60 = arith.addf %exp3A_53, %exp3A_55 : vector<2048x16xf32>
    %add3A_61 = arith.addf %add3A_60, %exp3A_57 : vector<2048x16xf32>
    %add3A_62 = arith.addf %add3A_61, %exp3A_59 : vector<2048x16xf32>
    %broadcast_in_dim3A_63 = arith.constant 0.000000e+00 : f32
    %broadcast_in_dim3A_64 = vector.broadcast %broadcast_in_dim3A_63 : f32 to vector<1x16xf32>
    %div3A_65 = arith.divf %exp3A_53, %add3A_62 : vector<2048x16xf32>
    %mul3A_66 = arith.mulf %div3A_65, %convert_element_type3A_43 : vector<2048x16xf32>
    %reduce_sum3A_67 = arith.constant dense<0.000000e+00> : vector<16xf32>
    %reduce_sum3A_68 = vector.multi_reduction <add>, %mul3A_66, %reduce_sum3A_67 [0] : vector<2048x16xf32> to vector<16xf32>
    %broadcast_in_dim3A_69 = vector.shape_cast %reduce_sum3A_68 : vector<16xf32> to vector<1x16xf32>
    %max3A_70 = arith.constant 1.000000e+00 : f32
    %max3A_71 = vector.broadcast %max3A_70 : f32 to vector<1x16xf32>
    %max3A_72 = arith.maximumf %broadcast_in_dim3A_46, %max3A_71 : vector<1x16xf32>
    %div3A_73 = arith.divf %broadcast_in_dim3A_69, %max3A_72 : vector<1x16xf32>
    %mul3A_74 = arith.mulf %div3A_73, %div3A_73 : vector<1x16xf32>
    %add3A_75 = arith.addf %broadcast_in_dim3A_64, %mul3A_74 : vector<1x16xf32>
    %mul3A_76 = arith.mulf %slice3A, %convert_element_type3A_43 : vector<2048x16xf32>
    %reduce_sum3A_77 = arith.constant dense<0.000000e+00> : vector<2048xf32>
    %reduce_sum3A_78 = vector.multi_reduction <add>, %mul3A_76, %reduce_sum3A_77 [1] : vector<2048x16xf32> to vector<2048xf32>
    %broadcast_in_dim3A_79 = vector.shape_cast %reduce_sum3A_78 : vector<2048xf32> to vector<2048x1xf32>
    %div3A_80 = arith.divf %exp3A_55, %add3A_62 : vector<2048x16xf32>
    %mul3A_81 = arith.mulf %div3A_80, %convert_element_type3A_43 : vector<2048x16xf32>
    %reduce_sum3A_82 = arith.constant dense<0.000000e+00> : vector<16xf32>
    %reduce_sum3A_83 = vector.multi_reduction <add>, %mul3A_81, %reduce_sum3A_82 [0] : vector<2048x16xf32> to vector<16xf32>
    %broadcast_in_dim3A_84 = vector.shape_cast %reduce_sum3A_83 : vector<16xf32> to vector<1x16xf32>
    %max3A_85 = arith.constant 1.000000e+00 : f32
    %max3A_86 = vector.broadcast %max3A_85 : f32 to vector<1x16xf32>
    %max3A_87 = arith.maximumf %broadcast_in_dim3A_46, %max3A_86 : vector<1x16xf32>
    %div3A_88 = arith.divf %broadcast_in_dim3A_84, %max3A_87 : vector<1x16xf32>
    %mul3A_89 = arith.mulf %div3A_88, %div3A_88 : vector<1x16xf32>
    %add3A_90 = arith.addf %add3A_75, %mul3A_89 : vector<1x16xf32>
    %mul3A_91 = arith.mulf %slice3A_47, %convert_element_type3A_43 : vector<2048x16xf32>
    %reduce_sum3A_92 = arith.constant dense<0.000000e+00> : vector<2048xf32>
    %reduce_sum3A_93 = vector.multi_reduction <add>, %mul3A_91, %reduce_sum3A_92 [1] : vector<2048x16xf32> to vector<2048xf32>
    %broadcast_in_dim3A_94 = vector.shape_cast %reduce_sum3A_93 : vector<2048xf32> to vector<2048x1xf32>
    %div3A_95 = arith.divf %exp3A_57, %add3A_62 : vector<2048x16xf32>
    %mul3A_96 = arith.mulf %div3A_95, %convert_element_type3A_43 : vector<2048x16xf32>
    %reduce_sum3A_97 = arith.constant dense<0.000000e+00> : vector<16xf32>
    %reduce_sum3A_98 = vector.multi_reduction <add>, %mul3A_96, %reduce_sum3A_97 [0] : vector<2048x16xf32> to vector<16xf32>
    %broadcast_in_dim3A_99 = vector.shape_cast %reduce_sum3A_98 : vector<16xf32> to vector<1x16xf32>
    %max3A_100 = arith.constant 1.000000e+00 : f32
    %max3A_101 = vector.broadcast %max3A_100 : f32 to vector<1x16xf32>
    %max3A_102 = arith.maximumf %broadcast_in_dim3A_46, %max3A_101 : vector<1x16xf32>
    %div3A_103 = arith.divf %broadcast_in_dim3A_99, %max3A_102 : vector<1x16xf32>
    %mul3A_104 = arith.mulf %div3A_103, %div3A_103 : vector<1x16xf32>
    %add3A_105 = arith.addf %add3A_90, %mul3A_104 : vector<1x16xf32>
    %mul3A_106 = arith.mulf %slice3A_48, %convert_element_type3A_43 : vector<2048x16xf32>
    %reduce_sum3A_107 = arith.constant dense<0.000000e+00> : vector<2048xf32>
    %reduce_sum3A_108 = vector.multi_reduction <add>, %mul3A_106, %reduce_sum3A_107 [1] : vector<2048x16xf32> to vector<2048xf32>
    %broadcast_in_dim3A_109 = vector.shape_cast %reduce_sum3A_108 : vector<2048xf32> to vector<2048x1xf32>
    %div3A_110 = arith.divf %exp3A_59, %add3A_62 : vector<2048x16xf32>
    %mul3A_111 = arith.mulf %div3A_110, %convert_element_type3A_43 : vector<2048x16xf32>
    %reduce_sum3A_112 = arith.constant dense<0.000000e+00> : vector<16xf32>
    %reduce_sum3A_113 = vector.multi_reduction <add>, %mul3A_111, %reduce_sum3A_112 [0] : vector<2048x16xf32> to vector<16xf32>
    %broadcast_in_dim3A_114 = vector.shape_cast %reduce_sum3A_113 : vector<16xf32> to vector<1x16xf32>
    %max3A_115 = arith.constant 1.000000e+00 : f32
    %max3A_116 = vector.broadcast %max3A_115 : f32 to vector<1x16xf32>
    %max3A_117 = arith.maximumf %broadcast_in_dim3A_46, %max3A_116 : vector<1x16xf32>
    %div3A_118 = arith.divf %broadcast_in_dim3A_114, %max3A_117 : vector<1x16xf32>
    %mul3A_119 = arith.mulf %div3A_118, %div3A_118 : vector<1x16xf32>
    %add3A_120 = arith.addf %add3A_105, %mul3A_119 : vector<1x16xf32>
    %mul3A_121 = arith.mulf %slice3A_49, %convert_element_type3A_43 : vector<2048x16xf32>
    %reduce_sum3A_122 = arith.constant dense<0.000000e+00> : vector<2048xf32>
    %reduce_sum3A_123 = vector.multi_reduction <add>, %mul3A_121, %reduce_sum3A_122 [1] : vector<2048x16xf32> to vector<2048xf32>
    %broadcast_in_dim3A_124 = vector.shape_cast %reduce_sum3A_123 : vector<2048xf32> to vector<2048x1xf32>
    %mul3A_125 = arith.constant 4.000000e-02 : f32
    %mul3A_126 = vector.broadcast %mul3A_125 : f32 to vector<1x16xf32>
    %mul3A_127 = arith.mulf %mul3A_126, %add3A_120 : vector<1x16xf32>
    %gt3A = arith.constant 0.000000e+00 : f32
    %gt3A_128 = vector.broadcast %gt3A : f32 to vector<1x16xf32>
    %gt3A_129 = arith.cmpf ogt, %broadcast_in_dim3A_46, %gt3A_128 : vector<1x16xf32>
    %jit3A_130 = arith.constant 0.000000e+00 : f32
    %broadcast_in_dim3A_131 = vector.broadcast %jit3A_130 : f32 to vector<1x16xf32>
    %select_n3A_132 = arith.select %gt3A_129, %mul3A_127, %broadcast_in_dim3A_131 : vector<1x16xi1>, vector<1x16xf32>
    %reduce_sum3A_133 = arith.constant dense<0.000000e+00> : vector<1xf32>
    %reduce_sum3A_134 = vector.multi_reduction <add>, %select_n3A_132, %reduce_sum3A_133 [1] : vector<1x16xf32> to vector<1xf32>
    %broadcast_in_dim3A_135 = vector.shape_cast %reduce_sum3A_134 : vector<1xf32> to vector<1x1xf32>
    %add3A_136 = arith.addf %mul3A_40, %broadcast_in_dim3A_135 : vector<1x1xf32>
    %max3A_137 = arith.maximumf %broadcast_in_dim3A_79, %broadcast_in_dim3A_94 : vector<2048x1xf32>
    %max3A_138 = arith.maximumf %broadcast_in_dim3A_109, %broadcast_in_dim3A_124 : vector<2048x1xf32>
    %max3A_139 = arith.maximumf %max3A_137, %max3A_138 : vector<2048x1xf32>
    %eq3A_140 = arith.cmpf oeq, %broadcast_in_dim3A_79, %max3A_139 : vector<2048x1xf32>
    %eq3A_141 = arith.cmpf oeq, %broadcast_in_dim3A_94, %max3A_139 : vector<2048x1xf32>
    %eq3A_142 = arith.cmpf oeq, %broadcast_in_dim3A_109, %max3A_139 : vector<2048x1xf32>
    %jit3A_143 = arith.constant 2 : i32
    %jit3A_144 = arith.constant 3 : i32
    %broadcast_in_dim3A_145 = vector.broadcast %jit3A_143 : i32 to vector<2048x1xi32>
    %broadcast_in_dim3A_146 = vector.broadcast %jit3A_144 : i32 to vector<2048x1xi32>
    %select_n3A_147 = arith.select %eq3A_142, %broadcast_in_dim3A_145, %broadcast_in_dim3A_146 : vector<2048x1xi1>, vector<2048x1xi32>
    %jit3A_148 = arith.constant 1 : i32
    %broadcast_in_dim3A_149 = vector.broadcast %jit3A_148 : i32 to vector<2048x1xi32>
    %select_n3A_150 = arith.select %eq3A_141, %broadcast_in_dim3A_149, %select_n3A_147 : vector<2048x1xi1>, vector<2048x1xi32>
    %jit3A_151 = arith.constant 0 : i32
    %broadcast_in_dim3A_152 = vector.broadcast %jit3A_151 : i32 to vector<2048x1xi32>
    %select_n3A_153 = arith.select %eq3A_140, %broadcast_in_dim3A_152, %select_n3A_150 : vector<2048x1xi1>, vector<2048x1xi32>
    %eq3A_154 = arith.constant 0 : i32
    %eq3A_155 = vector.broadcast %eq3A_154 : i32 to vector<2048x1xi32>
    %eq3A_156 = arith.cmpi eq, %select_n3A_153, %eq3A_155 : vector<2048x1xi32>
    %jit3A_157 = arith.constant -1.000000e+30 : f32
    %broadcast_in_dim3A_158 = vector.broadcast %jit3A_157 : f32 to vector<2048x1xf32>
    %select_n3A_159 = arith.select %eq3A_156, %broadcast_in_dim3A_158, %broadcast_in_dim3A_79 : vector<2048x1xi1>, vector<2048x1xf32>
    %eq3A_160 = arith.constant 1 : i32
    %eq3A_161 = vector.broadcast %eq3A_160 : i32 to vector<2048x1xi32>
    %eq3A_162 = arith.cmpi eq, %select_n3A_153, %eq3A_161 : vector<2048x1xi32>
    %jit3A_163 = arith.constant -1.000000e+30 : f32
    %broadcast_in_dim3A_164 = vector.broadcast %jit3A_163 : f32 to vector<2048x1xf32>
    %select_n3A_165 = arith.select %eq3A_162, %broadcast_in_dim3A_164, %broadcast_in_dim3A_94 : vector<2048x1xi1>, vector<2048x1xf32>
    %eq3A_166 = arith.constant 2 : i32
    %eq3A_167 = vector.broadcast %eq3A_166 : i32 to vector<2048x1xi32>
    %eq3A_168 = arith.cmpi eq, %select_n3A_153, %eq3A_167 : vector<2048x1xi32>
    %jit3A_169 = arith.constant -1.000000e+30 : f32
    %broadcast_in_dim3A_170 = vector.broadcast %jit3A_169 : f32 to vector<2048x1xf32>
    %select_n3A_171 = arith.select %eq3A_168, %broadcast_in_dim3A_170, %broadcast_in_dim3A_109 : vector<2048x1xi1>, vector<2048x1xf32>
    %eq3A_172 = arith.constant 3 : i32
    %eq3A_173 = vector.broadcast %eq3A_172 : i32 to vector<2048x1xi32>
    %eq3A_174 = arith.cmpi eq, %select_n3A_153, %eq3A_173 : vector<2048x1xi32>
    %jit3A_175 = arith.constant -1.000000e+30 : f32
    %broadcast_in_dim3A_176 = vector.broadcast %jit3A_175 : f32 to vector<2048x1xf32>
    %select_n3A_177 = arith.select %eq3A_174, %broadcast_in_dim3A_176, %broadcast_in_dim3A_124 : vector<2048x1xi1>, vector<2048x1xf32>
    %max3A_178 = arith.maximumf %select_n3A_159, %select_n3A_165 : vector<2048x1xf32>
    %max3A_179 = arith.maximumf %select_n3A_171, %select_n3A_177 : vector<2048x1xf32>
    %max3A_180 = arith.maximumf %max3A_178, %max3A_179 : vector<2048x1xf32>
    %eq3A_181 = arith.cmpf oeq, %select_n3A_159, %max3A_180 : vector<2048x1xf32>
    %eq3A_182 = arith.cmpf oeq, %select_n3A_165, %max3A_180 : vector<2048x1xf32>
    %eq3A_183 = arith.cmpf oeq, %select_n3A_171, %max3A_180 : vector<2048x1xf32>
    %jit3A_184 = arith.constant 2 : i32
    %jit3A_185 = arith.constant 3 : i32
    %broadcast_in_dim3A_186 = vector.broadcast %jit3A_184 : i32 to vector<2048x1xi32>
    %broadcast_in_dim3A_187 = vector.broadcast %jit3A_185 : i32 to vector<2048x1xi32>
    %select_n3A_188 = arith.select %eq3A_183, %broadcast_in_dim3A_186, %broadcast_in_dim3A_187 : vector<2048x1xi1>, vector<2048x1xi32>
    %jit3A_189 = arith.constant 1 : i32
    %broadcast_in_dim3A_190 = vector.broadcast %jit3A_189 : i32 to vector<2048x1xi32>
    %select_n3A_191 = arith.select %eq3A_182, %broadcast_in_dim3A_190, %select_n3A_188 : vector<2048x1xi1>, vector<2048x1xi32>
    %jit3A_192 = arith.constant 0 : i32
    %broadcast_in_dim3A_193 = vector.broadcast %jit3A_192 : i32 to vector<2048x1xi32>
    %select_n3A_194 = arith.select %eq3A_181, %broadcast_in_dim3A_193, %select_n3A_191 : vector<2048x1xi1>, vector<2048x1xi32>
    %sub3A_195 = arith.subf %max3A_180, %max3A_139 : vector<2048x1xf32>
    %exp3A_196 = math.exp %sub3A_195 : vector<2048x1xf32>
    %add3A_197 = arith.constant 1.000000e+00 : f32
    %add3A_198 = vector.broadcast %add3A_197 : f32 to vector<2048x1xf32>
    %add3A_199 = arith.addf %add3A_198, %exp3A_196 : vector<2048x1xf32>
    %div3A_200 = arith.constant 1.000000e+00 : f32
    %div3A_201 = vector.broadcast %div3A_200 : f32 to vector<2048x1xf32>
    %div3A_202 = arith.divf %div3A_201, %add3A_199 : vector<2048x1xf32>
    %add3A_203 = arith.constant 1.000000e+00 : f32
    %add3A_204 = vector.broadcast %add3A_203 : f32 to vector<2048x1xf32>
    %add3A_205 = arith.addf %add3A_204, %exp3A_196 : vector<2048x1xf32>
    %div3A_206 = arith.divf %exp3A_196, %add3A_205 : vector<2048x1xf32>
    %swap3A = arith.constant 0 : index
    %swap3A_207 = arith.constant 0 : index
    %swap3A_208 = vector.load %arg7[%swap3A, %swap3A_207] : memref<2048x1xf32, #tpu.memory_space<vmem>>, vector<2048x1xf32>
    tpu.vector_store %arg7[%swap3A, %swap3A_207], %div3A_202 {strides = array<i32>} : memref<2048x1xf32, #tpu.memory_space<vmem>>, vector<2048x1xf32>,
    %swap3A_209 = arith.constant 0 : index
    %swap3A_210 = arith.constant 0 : index
    %swap3A_211 = vector.load %arg8[%swap3A_209, %swap3A_210] : memref<2048x1xf32, #tpu.memory_space<vmem>>, vector<2048x1xf32>
    tpu.vector_store %arg8[%swap3A_209, %swap3A_210], %div3A_206 {strides = array<i32>} : memref<2048x1xf32, #tpu.memory_space<vmem>>, vector<2048x1xf32>,
    %swap3A_212 = arith.constant 0 : index
    %swap3A_213 = arith.constant 0 : index
    %swap3A_214 = vector.load %arg12[%swap3A_212, %swap3A_213] : memref<1x1xf32, #tpu.memory_space<vmem>>, vector<1x1xf32>
    tpu.vector_store %arg12[%swap3A_212, %swap3A_213], %add3A_136 {strides = array<i32>} : memref<1x1xf32, #tpu.memory_space<vmem>>, vector<1x1xf32>,
    %mul3A_215 = arith.constant 4 : i32
    %mul3A_216 = vector.broadcast %mul3A_215 : i32 to vector<2048x1xi32>
    %mul3A_217 = arith.muli %broadcast_in_dim3A_24, %mul3A_216 : vector<2048x1xi32>
    %add3A_218 = arith.addi %mul3A_217, %select_n3A_153 : vector<2048x1xi32>
    %mul3A_219 = arith.constant 4 : i32
    %mul3A_220 = vector.broadcast %mul3A_219 : i32 to vector<2048x1xi32>
    %mul3A_221 = arith.muli %broadcast_in_dim3A_24, %mul3A_220 : vector<2048x1xi32>
    %add3A_222 = arith.addi %mul3A_221, %select_n3A_194 : vector<2048x1xi32>
    %iota3A_223 = tpu.iota {dimensions = array<i32: 1>} : vector<2048x64xi32>
    %eq3A_224 = vector.broadcast %add3A_218 : vector<2048x1xi32> to vector<2048x64xi32>
    %eq3A_225 = arith.cmpi eq, %eq3A_224, %iota3A_223 : vector<2048x64xi32>
    %convert_element_type3A_226 = arith.extui %eq3A_225 : vector<2048x64xi1> to vector<2048x64xi32>
    %convert_element_type3A_227 = arith.sitofp %convert_element_type3A_226 : vector<2048x64xi32> to vector<2048x64xf32>
    %eq3A_228 = vector.broadcast %add3A_222 : vector<2048x1xi32> to vector<2048x64xi32>
    %eq3A_229 = arith.cmpi eq, %eq3A_228, %iota3A_223 : vector<2048x64xi32>
    %convert_element_type3A_230 = arith.extui %eq3A_229 : vector<2048x64xi1> to vector<2048x64xi32>
    %convert_element_type3A_231 = arith.sitofp %convert_element_type3A_230 : vector<2048x64xi32> to vector<2048x64xf32>
    %add3A_232 = arith.addf %convert_element_type3A_227, %convert_element_type3A_231 : vector<2048x64xf32>
    %reduce_sum3A_233 = arith.constant dense<0.000000e+00> : vector<64xf32>
    %reduce_sum3A_234 = vector.multi_reduction <add>, %add3A_232, %reduce_sum3A_233 [0] : vector<2048x64xf32> to vector<64xf32>
    %broadcast_in_dim3A_235 = vector.shape_cast %reduce_sum3A_234 : vector<64xf32> to vector<1x64xf32>
    %convert_element_type3A_236 = arith.fptosi %broadcast_in_dim3A_235 : vector<1x64xf32> to vector<1x64xi32>
    %add3A_237 = arith.constant 128 : i32
    %add3A_238 = vector.broadcast %add3A_237 : i32 to vector<1x64xi32>
    %add3A_239 = arith.addi %convert_element_type3A_236, %add3A_238 : vector<1x64xi32>
    %sub3A_240 = arith.constant 1 : i32
    %sub3A_241 = vector.broadcast %sub3A_240 : i32 to vector<1x64xi32>
    %sub3A_242 = arith.subi %add3A_239, %sub3A_241 : vector<1x64xi32>
    %jit3A_243 = arith.constant 128 : i32
    %div3A_244 = vector.broadcast %jit3A_243 : i32 to vector<1x64xi32>
    %div3A_245 = arith.divsi %sub3A_242, %div3A_244 : vector<1x64xi32>
    %sign3A = arith.constant 0 : i32
    %sign3A_246 = vector.broadcast %sign3A : i32 to vector<1x64xi32>
    %sign3A_247 = arith.cmpi sgt, %sub3A_242, %sign3A_246 : vector<1x64xi32>
    %sign3A_248 = arith.extui %sign3A_247 : vector<1x64xi1> to vector<1x64xi32>
    %sign3A_249 = arith.constant 0 : i32
    %sign3A_250 = vector.broadcast %sign3A_249 : i32 to vector<1x64xi32>
    %sign3A_251 = arith.cmpi slt, %sub3A_242, %sign3A_250 : vector<1x64xi32>
    %sign3A_252 = arith.extui %sign3A_251 : vector<1x64xi1> to vector<1x64xi32>
    %sign3A_253 = arith.subi %sign3A_248, %sign3A_252 : vector<1x64xi32>
    %sign3A_254 = arith.constant 0 : i32
    %sign3A_255 = arith.cmpi sgt, %jit3A_243, %sign3A_254 : i32
    %sign3A_256 = arith.extui %sign3A_255 : i1 to i32
    %sign3A_257 = arith.constant 0 : i32
    %sign3A_258 = arith.cmpi slt, %jit3A_243, %sign3A_257 : i32
    %sign3A_259 = arith.extui %sign3A_258 : i1 to i32
    %sign3A_260 = arith.subi %sign3A_256, %sign3A_259 : i32
    %ne3A = vector.broadcast %sign3A_260 : i32 to vector<1x64xi32>
    %ne3A_261 = arith.cmpi ne, %sign3A_253, %ne3A : vector<1x64xi32>
    %rem3A = vector.broadcast %jit3A_243 : i32 to vector<1x64xi32>
    %rem3A_262 = arith.remsi %sub3A_242, %rem3A : vector<1x64xi32>
    %ne3A_263 = arith.constant 0 : i32
    %ne3A_264 = vector.broadcast %ne3A_263 : i32 to vector<1x64xi32>
    %ne3A_265 = arith.cmpi ne, %rem3A_262, %ne3A_264 : vector<1x64xi32>
    %and3A = arith.andi %ne3A_261, %ne3A_265 : vector<1x64xi1>
    %sub3A_266 = arith.constant 1 : i32
    %sub3A_267 = vector.broadcast %sub3A_266 : i32 to vector<1x64xi32>
    %sub3A_268 = arith.subi %div3A_245, %sub3A_267 : vector<1x64xi32>
    %select_n3A_269 = arith.select %and3A, %sub3A_268, %div3A_245 : vector<1x64xi1>, vector<1x64xi32>
    %mul3A_270 = arith.constant 128 : i32
    %mul3A_271 = vector.broadcast %mul3A_270 : i32 to vector<1x64xi32>
    %mul3A_272 = arith.muli %select_n3A_269, %mul3A_271 : vector<1x64xi32>
    %convert_element_type3A_273 = arith.sitofp %mul3A_272 : vector<1x64xi32> to vector<1x64xf32>
    %iota3A_274 = tpu.iota {dimensions = array<i32: 0>} : vector<64x64xi32>
    %iota3A_275 = tpu.iota {dimensions = array<i32: 1>} : vector<64x64xi32>
    %lt3A = arith.cmpi slt, %iota3A_274, %iota3A_275 : vector<64x64xi32>
    %convert_element_type3A_276 = arith.extui %lt3A : vector<64x64xi1> to vector<64x64xi32>
    %convert_element_type3A_277 = arith.sitofp %convert_element_type3A_276 : vector<64x64xi32> to vector<64x64xf32>
    %dot_general3A_278 = arith.constant dense<0.000000e+00> : vector<1x64xf32>
    %dot_general3A_279 = tpu.matmul %convert_element_type3A_273, %convert_element_type3A_277, %dot_general3A_278 {dimension_numbers = #tpu.dot_dimension_numbers<[1], [0], [0], [1], [0, 0, 1, 1], [], []>, precision = #tpu.contract_precision<fp32>, transpose_lhs_hint = false} : vector<1x64xf32>, vector<64x64xf32>, vector<1x64xf32> -> vector<1x64xf32>
    %iota3A_280 = tpu.iota {dimensions = array<i32: 0>} : vector<128x128xi32>
    %iota3A_281 = tpu.iota {dimensions = array<i32: 1>} : vector<128x128xi32>
    %gt3A_282 = arith.cmpi sgt, %iota3A_280, %iota3A_281 : vector<128x128xi32>
    %convert_element_type3A_283 = arith.extui %gt3A_282 : vector<128x128xi1> to vector<128x128xi32>
    %convert_element_type3A_284 = arith.sitofp %convert_element_type3A_283 : vector<128x128xi32> to vector<128x128xf32>
    %broadcast_in_dim3A_285 = arith.constant 0.000000e+00 : f32
    %broadcast_in_dim3A_286 = vector.broadcast %broadcast_in_dim3A_285 : f32 to vector<1x64xf32>
    %slice3A_287 = vector.extract_strided_slice %add3A_232 {offsets = [0, 0], sizes = [128, 64], strides = [1, 1]} : vector<2048x64xf32> to vector<128x64xf32>
    %dot_general3A_288 = arith.constant dense<0.000000e+00> : vector<128x64xf32>
    %dot_general3A_289 = tpu.matmul %convert_element_type3A_284, %slice3A_287, %dot_general3A_288 {dimension_numbers = #tpu.dot_dimension_numbers<[1], [0], [0], [1], [0, 0, 1, 1], [], []>, precision = #tpu.contract_precision<fp32>, transpose_lhs_hint = false} : vector<128x128xf32>, vector<128x64xf32>, vector<128x64xf32> -> vector<128x64xf32>
    %add3A_290 = vector.broadcast %broadcast_in_dim3A_286 : vector<1x64xf32> to vector<128x64xf32>
    %add3A_291 = arith.addf %dot_general3A_289, %add3A_290 : vector<128x64xf32>
    %add3A_292 = vector.broadcast %dot_general3A_279 : vector<1x64xf32> to vector<128x64xf32>
    %add3A_293 = arith.addf %add3A_291, %add3A_292 : vector<128x64xf32>
    %slice3A_294 = vector.extract_strided_slice %convert_element_type3A_227 {offsets = [0, 0], sizes = [128, 64], strides = [1, 1]} : vector<2048x64xf32> to vector<128x64xf32>
    %mul3A_295 = arith.mulf %add3A_293, %slice3A_294 : vector<128x64xf32>
    %reduce_sum3A_296 = arith.constant dense<0.000000e+00> : vector<128xf32>
    %reduce_sum3A_297 = vector.multi_reduction <add>, %mul3A_295, %reduce_sum3A_296 [1] : vector<128x64xf32> to vector<128xf32>
    %broadcast_in_dim3A_298 = vector.shape_cast %reduce_sum3A_297 : vector<128xf32> to vector<128x1xf32>
    %slice3A_299 = vector.extract_strided_slice %convert_element_type3A_231 {offsets = [0, 0], sizes = [128, 64], strides = [1, 1]} : vector<2048x64xf32> to vector<128x64xf32>
    %mul3A_300 = arith.mulf %add3A_293, %slice3A_299 : vector<128x64xf32>
    %reduce_sum3A_301 = arith.constant dense<0.000000e+00> : vector<128xf32>
    %reduce_sum3A_302 = vector.multi_reduction <add>, %mul3A_300, %reduce_sum3A_301 [1] : vector<128x64xf32> to vector<128xf32>
    %broadcast_in_dim3A_303 = vector.shape_cast %reduce_sum3A_302 : vector<128xf32> to vector<128x1xf32>
    %slice3A_304 = vector.extract_strided_slice %add3A_232 {offsets = [0, 0], sizes = [128, 64], strides = [1, 1]} : vector<2048x64xf32> to vector<128x64xf32>
    %reduce_sum3A_305 = arith.constant dense<0.000000e+00> : vector<64xf32>
    %reduce_sum3A_306 = vector.multi_reduction <add>, %slice3A_304, %reduce_sum3A_305 [0] : vector<128x64xf32> to vector<64xf32>
    %broadcast_in_dim3A_307 = vector.shape_cast %reduce_sum3A_306 : vector<64xf32> to vector<1x64xf32>
    %add3A_308 = arith.addf %broadcast_in_dim3A_286, %broadcast_in_dim3A_307 : vector<1x64xf32>
    %slice3A_309 = vector.extract_strided_slice %add3A_232 {offsets = [128, 0], sizes = [128, 64], strides = [1, 1]} : vector<2048x64xf32> to vector<128x64xf32>
    %dot_general3A_310 = arith.constant dense<0.000000e+00> : vector<128x64xf32>
    %dot_general3A_311 = tpu.matmul %convert_element_type3A_284, %slice3A_309, %dot_general3A_310 {dimension_numbers = #tpu.dot_dimension_numbers<[1], [0], [0], [1], [0, 0, 1, 1], [], []>, precision = #tpu.contract_precision<fp32>, transpose_lhs_hint = false} : vector<128x128xf32>, vector<128x64xf32>, vector<128x64xf32> -> vector<128x64xf32>
    %add3A_312 = vector.broadcast %add3A_308 : vector<1x64xf32> to vector<128x64xf32>
    %add3A_313 = arith.addf %dot_general3A_311, %add3A_312 : vector<128x64xf32>
    %add3A_314 = vector.broadcast %dot_general3A_279 : vector<1x64xf32> to vector<128x64xf32>
    %add3A_315 = arith.addf %add3A_313, %add3A_314 : vector<128x64xf32>
    %slice3A_316 = vector.extract_strided_slice %convert_element_type3A_227 {offsets = [128, 0], sizes = [128, 64], strides = [1, 1]} : vector<2048x64xf32> to vector<128x64xf32>
    %mul3A_317 = arith.mulf %add3A_315, %slice3A_316 : vector<128x64xf32>
    %reduce_sum3A_318 = arith.constant dense<0.000000e+00> : vector<128xf32>
    %reduce_sum3A_319 = vector.multi_reduction <add>, %mul3A_317, %reduce_sum3A_318 [1] : vector<128x64xf32> to vector<128xf32>
    %broadcast_in_dim3A_320 = vector.shape_cast %reduce_sum3A_319 : vector<128xf32> to vector<128x1xf32>
    %slice3A_321 = vector.extract_strided_slice %convert_element_type3A_231 {offsets = [128, 0], sizes = [128, 64], strides = [1, 1]} : vector<2048x64xf32> to vector<128x64xf32>
    %mul3A_322 = arith.mulf %add3A_315, %slice3A_321 : vector<128x64xf32>
    %reduce_sum3A_323 = arith.constant dense<0.000000e+00> : vector<128xf32>
    %reduce_sum3A_324 = vector.multi_reduction <add>, %mul3A_322, %reduce_sum3A_323 [1] : vector<128x64xf32> to vector<128xf32>
    %broadcast_in_dim3A_325 = vector.shape_cast %reduce_sum3A_324 : vector<128xf32> to vector<128x1xf32>
    %slice3A_326 = vector.extract_strided_slice %add3A_232 {offsets = [128, 0], sizes = [128, 64], strides = [1, 1]} : vector<2048x64xf32> to vector<128x64xf32>
    %reduce_sum3A_327 = arith.constant dense<0.000000e+00> : vector<64xf32>
    %reduce_sum3A_328 = vector.multi_reduction <add>, %slice3A_326, %reduce_sum3A_327 [0] : vector<128x64xf32> to vector<64xf32>
    %broadcast_in_dim3A_329 = vector.shape_cast %reduce_sum3A_328 : vector<64xf32> to vector<1x64xf32>
    %add3A_330 = arith.addf %add3A_308, %broadcast_in_dim3A_329 : vector<1x64xf32>
    %slice3A_331 = vector.extract_strided_slice %add3A_232 {offsets = [256, 0], sizes = [128, 64], strides = [1, 1]} : vector<2048x64xf32> to vector<128x64xf32>
    %dot_general3A_332 = arith.constant dense<0.000000e+00> : vector<128x64xf32>
    %dot_general3A_333 = tpu.matmul %convert_element_type3A_284, %slice3A_331, %dot_general3A_332 {dimension_numbers = #tpu.dot_dimension_numbers<[1], [0], [0], [1], [0, 0, 1, 1], [], []>, precision = #tpu.contract_precision<fp32>, transpose_lhs_hint = false} : vector<128x128xf32>, vector<128x64xf32>, vector<128x64xf32> -> vector<128x64xf32>
    %add3A_334 = vector.broadcast %add3A_330 : vector<1x64xf32> to vector<128x64xf32>
    %add3A_335 = arith.addf %dot_general3A_333, %add3A_334 : vector<128x64xf32>
    %add3A_336 = vector.broadcast %dot_general3A_279 : vector<1x64xf32> to vector<128x64xf32>
    %add3A_337 = arith.addf %add3A_335, %add3A_336 : vector<128x64xf32>
    %slice3A_338 = vector.extract_strided_slice %convert_element_type3A_227 {offsets = [256, 0], sizes = [128, 64], strides = [1, 1]} : vector<2048x64xf32> to vector<128x64xf32>
    %mul3A_339 = arith.mulf %add3A_337, %slice3A_338 : vector<128x64xf32>
    %reduce_sum3A_340 = arith.constant dense<0.000000e+00> : vector<128xf32>
    %reduce_sum3A_341 = vector.multi_reduction <add>, %mul3A_339, %reduce_sum3A_340 [1] : vector<128x64xf32> to vector<128xf32>
    %broadcast_in_dim3A_342 = vector.shape_cast %reduce_sum3A_341 : vector<128xf32> to vector<128x1xf32>
    %slice3A_343 = vector.extract_strided_slice %convert_element_type3A_231 {offsets = [256, 0], sizes = [128, 64], strides = [1, 1]} : vector<2048x64xf32> to vector<128x64xf32>
    %mul3A_344 = arith.mulf %add3A_337, %slice3A_343 : vector<128x64xf32>
    %reduce_sum3A_345 = arith.constant dense<0.000000e+00> : vector<128xf32>
    %reduce_sum3A_346 = vector.multi_reduction <add>, %mul3A_344, %reduce_sum3A_345 [1] : vector<128x64xf32> to vector<128xf32>
    %broadcast_in_dim3A_347 = vector.shape_cast %reduce_sum3A_346 : vector<128xf32> to vector<128x1xf32>
    %slice3A_348 = vector.extract_strided_slice %add3A_232 {offsets = [256, 0], sizes = [128, 64], strides = [1, 1]} : vector<2048x64xf32> to vector<128x64xf32>
    %reduce_sum3A_349 = arith.constant dense<0.000000e+00> : vector<64xf32>
    %reduce_sum3A_350 = vector.multi_reduction <add>, %slice3A_348, %reduce_sum3A_349 [0] : vector<128x64xf32> to vector<64xf32>
    %broadcast_in_dim3A_351 = vector.shape_cast %reduce_sum3A_350 : vector<64xf32> to vector<1x64xf32>
    %add3A_352 = arith.addf %add3A_330, %broadcast_in_dim3A_351 : vector<1x64xf32>
    %slice3A_353 = vector.extract_strided_slice %add3A_232 {offsets = [384, 0], sizes = [128, 64], strides = [1, 1]} : vector<2048x64xf32> to vector<128x64xf32>
    %dot_general3A_354 = arith.constant dense<0.000000e+00> : vector<128x64xf32>
    %dot_general3A_355 = tpu.matmul %convert_element_type3A_284, %slice3A_353, %dot_general3A_354 {dimension_numbers = #tpu.dot_dimension_numbers<[1], [0], [0], [1], [0, 0, 1, 1], [], []>, precision = #tpu.contract_precision<fp32>, transpose_lhs_hint = false} : vector<128x128xf32>, vector<128x64xf32>, vector<128x64xf32> -> vector<128x64xf32>
    %add3A_356 = vector.broadcast %add3A_352 : vector<1x64xf32> to vector<128x64xf32>
    %add3A_357 = arith.addf %dot_general3A_355, %add3A_356 : vector<128x64xf32>
    %add3A_358 = vector.broadcast %dot_general3A_279 : vector<1x64xf32> to vector<128x64xf32>
    %add3A_359 = arith.addf %add3A_357, %add3A_358 : vector<128x64xf32>
    %slice3A_360 = vector.extract_strided_slice %convert_element_type3A_227 {offsets = [384, 0], sizes = [128, 64], strides = [1, 1]} : vector<2048x64xf32> to vector<128x64xf32>
    %mul3A_361 = arith.mulf %add3A_359, %slice3A_360 : vector<128x64xf32>
    %reduce_sum3A_362 = arith.constant dense<0.000000e+00> : vector<128xf32>
    %reduce_sum3A_363 = vector.multi_reduction <add>, %mul3A_361, %reduce_sum3A_362 [1] : vector<128x64xf32> to vector<128xf32>
    %broadcast_in_dim3A_364 = vector.shape_cast %reduce_sum3A_363 : vector<128xf32> to vector<128x1xf32>
    %slice3A_365 = vector.extract_strided_slice %convert_element_type3A_231 {offsets = [384, 0], sizes = [128, 64], strides = [1, 1]} : vector<2048x64xf32> to vector<128x64xf32>
    %mul3A_366 = arith.mulf %add3A_359, %slice3A_365 : vector<128x64xf32>
    %reduce_sum3A_367 = arith.constant dense<0.000000e+00> : vector<128xf32>
    %reduce_sum3A_368 = vector.multi_reduction <add>, %mul3A_366, %reduce_sum3A_367 [1] : vector<128x64xf32> to vector<128xf32>
    %broadcast_in_dim3A_369 = vector.shape_cast %reduce_sum3A_368 : vector<128xf32> to vector<128x1xf32>
    %slice3A_370 = vector.extract_strided_slice %add3A_232 {offsets = [384, 0], sizes = [128, 64], strides = [1, 1]} : vector<2048x64xf32> to vector<128x64xf32>
    %reduce_sum3A_371 = arith.constant dense<0.000000e+00> : vector<64xf32>
    %reduce_sum3A_372 = vector.multi_reduction <add>, %slice3A_370, %reduce_sum3A_371 [0] : vector<128x64xf32> to vector<64xf32>
    %broadcast_in_dim3A_373 = vector.shape_cast %reduce_sum3A_372 : vector<64xf32> to vector<1x64xf32>
    %add3A_374 = arith.addf %add3A_352, %broadcast_in_dim3A_373 : vector<1x64xf32>
    %slice3A_375 = vector.extract_strided_slice %add3A_232 {offsets = [512, 0], sizes = [128, 64], strides = [1, 1]} : vector<2048x64xf32> to vector<128x64xf32>
    %dot_general3A_376 = arith.constant dense<0.000000e+00> : vector<128x64xf32>
    %dot_general3A_377 = tpu.matmul %convert_element_type3A_284, %slice3A_375, %dot_general3A_376 {dimension_numbers = #tpu.dot_dimension_numbers<[1], [0], [0], [1], [0, 0, 1, 1], [], []>, precision = #tpu.contract_precision<fp32>, transpose_lhs_hint = false} : vector<128x128xf32>, vector<128x64xf32>, vector<128x64xf32> -> vector<128x64xf32>
    %add3A_378 = vector.broadcast %add3A_374 : vector<1x64xf32> to vector<128x64xf32>
    %add3A_379 = arith.addf %dot_general3A_377, %add3A_378 : vector<128x64xf32>
    %add3A_380 = vector.broadcast %dot_general3A_279 : vector<1x64xf32> to vector<128x64xf32>
    %add3A_381 = arith.addf %add3A_379, %add3A_380 : vector<128x64xf32>
    %slice3A_382 = vector.extract_strided_slice %convert_element_type3A_227 {offsets = [512, 0], sizes = [128, 64], strides = [1, 1]} : vector<2048x64xf32> to vector<128x64xf32>
    %mul3A_383 = arith.mulf %add3A_381, %slice3A_382 : vector<128x64xf32>
    %reduce_sum3A_384 = arith.constant dense<0.000000e+00> : vector<128xf32>
    %reduce_sum3A_385 = vector.multi_reduction <add>, %mul3A_383, %reduce_sum3A_384 [1] : vector<128x64xf32> to vector<128xf32>
    %broadcast_in_dim3A_386 = vector.shape_cast %reduce_sum3A_385 : vector<128xf32> to vector<128x1xf32>
    %slice3A_387 = vector.extract_strided_slice %convert_element_type3A_231 {offsets = [512, 0], sizes = [128, 64], strides = [1, 1]} : vector<2048x64xf32> to vector<128x64xf32>
    %mul3A_388 = arith.mulf %add3A_381, %slice3A_387 : vector<128x64xf32>
    %reduce_sum3A_389 = arith.constant dense<0.000000e+00> : vector<128xf32>
    %reduce_sum3A_390 = vector.multi_reduction <add>, %mul3A_388, %reduce_sum3A_389 [1] : vector<128x64xf32> to vector<128xf32>
    %broadcast_in_dim3A_391 = vector.shape_cast %reduce_sum3A_390 : vector<128xf32> to vector<128x1xf32>
    %slice3A_392 = vector.extract_strided_slice %add3A_232 {offsets = [512, 0], sizes = [128, 64], strides = [1, 1]} : vector<2048x64xf32> to vector<128x64xf32>
    %reduce_sum3A_393 = arith.constant dense<0.000000e+00> : vector<64xf32>
    %reduce_sum3A_394 = vector.multi_reduction <add>, %slice3A_392, %reduce_sum3A_393 [0] : vector<128x64xf32> to vector<64xf32>
    %broadcast_in_dim3A_395 = vector.shape_cast %reduce_sum3A_394 : vector<64xf32> to vector<1x64xf32>
    %add3A_396 = arith.addf %add3A_374, %broadcast_in_dim3A_395 : vector<1x64xf32>
    %slice3A_397 = vector.extract_strided_slice %add3A_232 {offsets = [640, 0], sizes = [128, 64], strides = [1, 1]} : vector<2048x64xf32> to vector<128x64xf32>
    %dot_general3A_398 = arith.constant dense<0.000000e+00> : vector<128x64xf32>
    %dot_general3A_399 = tpu.matmul %convert_element_type3A_284, %slice3A_397, %dot_general3A_398 {dimension_numbers = #tpu.dot_dimension_numbers<[1], [0], [0], [1], [0, 0, 1, 1], [], []>, precision = #tpu.contract_precision<fp32>, transpose_lhs_hint = false} : vector<128x128xf32>, vector<128x64xf32>, vector<128x64xf32> -> vector<128x64xf32>
    %add3A_400 = vector.broadcast %add3A_396 : vector<1x64xf32> to vector<128x64xf32>
    %add3A_401 = arith.addf %dot_general3A_399, %add3A_400 : vector<128x64xf32>
    %add3A_402 = vector.broadcast %dot_general3A_279 : vector<1x64xf32> to vector<128x64xf32>
    %add3A_403 = arith.addf %add3A_401, %add3A_402 : vector<128x64xf32>
    %slice3A_404 = vector.extract_strided_slice %convert_element_type3A_227 {offsets = [640, 0], sizes = [128, 64], strides = [1, 1]} : vector<2048x64xf32> to vector<128x64xf32>
    %mul3A_405 = arith.mulf %add3A_403, %slice3A_404 : vector<128x64xf32>
    %reduce_sum3A_406 = arith.constant dense<0.000000e+00> : vector<128xf32>
    %reduce_sum3A_407 = vector.multi_reduction <add>, %mul3A_405, %reduce_sum3A_406 [1] : vector<128x64xf32> to vector<128xf32>
    %broadcast_in_dim3A_408 = vector.shape_cast %reduce_sum3A_407 : vector<128xf32> to vector<128x1xf32>
    %slice3A_409 = vector.extract_strided_slice %convert_element_type3A_231 {offsets = [640, 0], sizes = [128, 64], strides = [1, 1]} : vector<2048x64xf32> to vector<128x64xf32>
    %mul3A_410 = arith.mulf %add3A_403, %slice3A_409 : vector<128x64xf32>
    %reduce_sum3A_411 = arith.constant dense<0.000000e+00> : vector<128xf32>
    %reduce_sum3A_412 = vector.multi_reduction <add>, %mul3A_410, %reduce_sum3A_411 [1] : vector<128x64xf32> to vector<128xf32>
    %broadcast_in_dim3A_413 = vector.shape_cast %reduce_sum3A_412 : vector<128xf32> to vector<128x1xf32>
    %slice3A_414 = vector.extract_strided_slice %add3A_232 {offsets = [640, 0], sizes = [128, 64], strides = [1, 1]} : vector<2048x64xf32> to vector<128x64xf32>
    %reduce_sum3A_415 = arith.constant dense<0.000000e+00> : vector<64xf32>
    %reduce_sum3A_416 = vector.multi_reduction <add>, %slice3A_414, %reduce_sum3A_415 [0] : vector<128x64xf32> to vector<64xf32>
    %broadcast_in_dim3A_417 = vector.shape_cast %reduce_sum3A_416 : vector<64xf32> to vector<1x64xf32>
    %add3A_418 = arith.addf %add3A_396, %broadcast_in_dim3A_417 : vector<1x64xf32>
    %slice3A_419 = vector.extract_strided_slice %add3A_232 {offsets = [768, 0], sizes = [128, 64], strides = [1, 1]} : vector<2048x64xf32> to vector<128x64xf32>
    %dot_general3A_420 = arith.constant dense<0.000000e+00> : vector<128x64xf32>
    %dot_general3A_421 = tpu.matmul %convert_element_type3A_284, %slice3A_419, %dot_general3A_420 {dimension_numbers = #tpu.dot_dimension_numbers<[1], [0], [0], [1], [0, 0, 1, 1], [], []>, precision = #tpu.contract_precision<fp32>, transpose_lhs_hint = false} : vector<128x128xf32>, vector<128x64xf32>, vector<128x64xf32> -> vector<128x64xf32>
    %add3A_422 = vector.broadcast %add3A_418 : vector<1x64xf32> to vector<128x64xf32>
    %add3A_423 = arith.addf %dot_general3A_421, %add3A_422 : vector<128x64xf32>
    %add3A_424 = vector.broadcast %dot_general3A_279 : vector<1x64xf32> to vector<128x64xf32>
    %add3A_425 = arith.addf %add3A_423, %add3A_424 : vector<128x64xf32>
    %slice3A_426 = vector.extract_strided_slice %convert_element_type3A_227 {offsets = [768, 0], sizes = [128, 64], strides = [1, 1]} : vector<2048x64xf32> to vector<128x64xf32>
    %mul3A_427 = arith.mulf %add3A_425, %slice3A_426 : vector<128x64xf32>
    %reduce_sum3A_428 = arith.constant dense<0.000000e+00> : vector<128xf32>
    %reduce_sum3A_429 = vector.multi_reduction <add>, %mul3A_427, %reduce_sum3A_428 [1] : vector<128x64xf32> to vector<128xf32>
    %broadcast_in_dim3A_430 = vector.shape_cast %reduce_sum3A_429 : vector<128xf32> to vector<128x1xf32>
    %slice3A_431 = vector.extract_strided_slice %convert_element_type3A_231 {offsets = [768, 0], sizes = [128, 64], strides = [1, 1]} : vector<2048x64xf32> to vector<128x64xf32>
    %mul3A_432 = arith.mulf %add3A_425, %slice3A_431 : vector<128x64xf32>
    %reduce_sum3A_433 = arith.constant dense<0.000000e+00> : vector<128xf32>
    %reduce_sum3A_434 = vector.multi_reduction <add>, %mul3A_432, %reduce_sum3A_433 [1] : vector<128x64xf32> to vector<128xf32>
    %broadcast_in_dim3A_435 = vector.shape_cast %reduce_sum3A_434 : vector<128xf32> to vector<128x1xf32>
    %slice3A_436 = vector.extract_strided_slice %add3A_232 {offsets = [768, 0], sizes = [128, 64], strides = [1, 1]} : vector<2048x64xf32> to vector<128x64xf32>
    %reduce_sum3A_437 = arith.constant dense<0.000000e+00> : vector<64xf32>
    %reduce_sum3A_438 = vector.multi_reduction <add>, %slice3A_436, %reduce_sum3A_437 [0] : vector<128x64xf32> to vector<64xf32>
    %broadcast_in_dim3A_439 = vector.shape_cast %reduce_sum3A_438 : vector<64xf32> to vector<1x64xf32>
    %add3A_440 = arith.addf %add3A_418, %broadcast_in_dim3A_439 : vector<1x64xf32>
    %slice3A_441 = vector.extract_strided_slice %add3A_232 {offsets = [896, 0], sizes = [128, 64], strides = [1, 1]} : vector<2048x64xf32> to vector<128x64xf32>
    %dot_general3A_442 = arith.constant dense<0.000000e+00> : vector<128x64xf32>
    %dot_general3A_443 = tpu.matmul %convert_element_type3A_284, %slice3A_441, %dot_general3A_442 {dimension_numbers = #tpu.dot_dimension_numbers<[1], [0], [0], [1], [0, 0, 1, 1], [], []>, precision = #tpu.contract_precision<fp32>, transpose_lhs_hint = false} : vector<128x128xf32>, vector<128x64xf32>, vector<128x64xf32> -> vector<128x64xf32>
    %add3A_444 = vector.broadcast %add3A_440 : vector<1x64xf32> to vector<128x64xf32>
    %add3A_445 = arith.addf %dot_general3A_443, %add3A_444 : vector<128x64xf32>
    %add3A_446 = vector.broadcast %dot_general3A_279 : vector<1x64xf32> to vector<128x64xf32>
    %add3A_447 = arith.addf %add3A_445, %add3A_446 : vector<128x64xf32>
    %slice3A_448 = vector.extract_strided_slice %convert_element_type3A_227 {offsets = [896, 0], sizes = [128, 64], strides = [1, 1]} : vector<2048x64xf32> to vector<128x64xf32>
    %mul3A_449 = arith.mulf %add3A_447, %slice3A_448 : vector<128x64xf32>
    %reduce_sum3A_450 = arith.constant dense<0.000000e+00> : vector<128xf32>
    %reduce_sum3A_451 = vector.multi_reduction <add>, %mul3A_449, %reduce_sum3A_450 [1] : vector<128x64xf32> to vector<128xf32>
    %broadcast_in_dim3A_452 = vector.shape_cast %reduce_sum3A_451 : vector<128xf32> to vector<128x1xf32>
    %slice3A_453 = vector.extract_strided_slice %convert_element_type3A_231 {offsets = [896, 0], sizes = [128, 64], strides = [1, 1]} : vector<2048x64xf32> to vector<128x64xf32>
    %mul3A_454 = arith.mulf %add3A_447, %slice3A_453 : vector<128x64xf32>
    %reduce_sum3A_455 = arith.constant dense<0.000000e+00> : vector<128xf32>
    %reduce_sum3A_456 = vector.multi_reduction <add>, %mul3A_454, %reduce_sum3A_455 [1] : vector<128x64xf32> to vector<128xf32>
    %broadcast_in_dim3A_457 = vector.shape_cast %reduce_sum3A_456 : vector<128xf32> to vector<128x1xf32>
    %slice3A_458 = vector.extract_strided_slice %add3A_232 {offsets = [896, 0], sizes = [128, 64], strides = [1, 1]} : vector<2048x64xf32> to vector<128x64xf32>
    %reduce_sum3A_459 = arith.constant dense<0.000000e+00> : vector<64xf32>
    %reduce_sum3A_460 = vector.multi_reduction <add>, %slice3A_458, %reduce_sum3A_459 [0] : vector<128x64xf32> to vector<64xf32>
    %broadcast_in_dim3A_461 = vector.shape_cast %reduce_sum3A_460 : vector<64xf32> to vector<1x64xf32>
    %add3A_462 = arith.addf %add3A_440, %broadcast_in_dim3A_461 : vector<1x64xf32>
    %slice3A_463 = vector.extract_strided_slice %add3A_232 {offsets = [1024, 0], sizes = [128, 64], strides = [1, 1]} : vector<2048x64xf32> to vector<128x64xf32>
    %dot_general3A_464 = arith.constant dense<0.000000e+00> : vector<128x64xf32>
    %dot_general3A_465 = tpu.matmul %convert_element_type3A_284, %slice3A_463, %dot_general3A_464 {dimension_numbers = #tpu.dot_dimension_numbers<[1], [0], [0], [1], [0, 0, 1, 1], [], []>, precision = #tpu.contract_precision<fp32>, transpose_lhs_hint = false} : vector<128x128xf32>, vector<128x64xf32>, vector<128x64xf32> -> vector<128x64xf32>
    %add3A_466 = vector.broadcast %add3A_462 : vector<1x64xf32> to vector<128x64xf32>
    %add3A_467 = arith.addf %dot_general3A_465, %add3A_466 : vector<128x64xf32>
    %add3A_468 = vector.broadcast %dot_general3A_279 : vector<1x64xf32> to vector<128x64xf32>
    %add3A_469 = arith.addf %add3A_467, %add3A_468 : vector<128x64xf32>
    %slice3A_470 = vector.extract_strided_slice %convert_element_type3A_227 {offsets = [1024, 0], sizes = [128, 64], strides = [1, 1]} : vector<2048x64xf32> to vector<128x64xf32>
    %mul3A_471 = arith.mulf %add3A_469, %slice3A_470 : vector<128x64xf32>
    %reduce_sum3A_472 = arith.constant dense<0.000000e+00> : vector<128xf32>
    %reduce_sum3A_473 = vector.multi_reduction <add>, %mul3A_471, %reduce_sum3A_472 [1] : vector<128x64xf32> to vector<128xf32>
    %broadcast_in_dim3A_474 = vector.shape_cast %reduce_sum3A_473 : vector<128xf32> to vector<128x1xf32>
    %slice3A_475 = vector.extract_strided_slice %convert_element_type3A_231 {offsets = [1024, 0], sizes = [128, 64], strides = [1, 1]} : vector<2048x64xf32> to vector<128x64xf32>
    %mul3A_476 = arith.mulf %add3A_469, %slice3A_475 : vector<128x64xf32>
    %reduce_sum3A_477 = arith.constant dense<0.000000e+00> : vector<128xf32>
    %reduce_sum3A_478 = vector.multi_reduction <add>, %mul3A_476, %reduce_sum3A_477 [1] : vector<128x64xf32> to vector<128xf32>
    %broadcast_in_dim3A_479 = vector.shape_cast %reduce_sum3A_478 : vector<128xf32> to vector<128x1xf32>
    %slice3A_480 = vector.extract_strided_slice %add3A_232 {offsets = [1024, 0], sizes = [128, 64], strides = [1, 1]} : vector<2048x64xf32> to vector<128x64xf32>
    %reduce_sum3A_481 = arith.constant dense<0.000000e+00> : vector<64xf32>
    %reduce_sum3A_482 = vector.multi_reduction <add>, %slice3A_480, %reduce_sum3A_481 [0] : vector<128x64xf32> to vector<64xf32>
    %broadcast_in_dim3A_483 = vector.shape_cast %reduce_sum3A_482 : vector<64xf32> to vector<1x64xf32>
    %add3A_484 = arith.addf %add3A_462, %broadcast_in_dim3A_483 : vector<1x64xf32>
    %slice3A_485 = vector.extract_strided_slice %add3A_232 {offsets = [1152, 0], sizes = [128, 64], strides = [1, 1]} : vector<2048x64xf32> to vector<128x64xf32>
    %dot_general3A_486 = arith.constant dense<0.000000e+00> : vector<128x64xf32>
    %dot_general3A_487 = tpu.matmul %convert_element_type3A_284, %slice3A_485, %dot_general3A_486 {dimension_numbers = #tpu.dot_dimension_numbers<[1], [0], [0], [1], [0, 0, 1, 1], [], []>, precision = #tpu.contract_precision<fp32>, transpose_lhs_hint = false} : vector<128x128xf32>, vector<128x64xf32>, vector<128x64xf32> -> vector<128x64xf32>
    %add3A_488 = vector.broadcast %add3A_484 : vector<1x64xf32> to vector<128x64xf32>
    %add3A_489 = arith.addf %dot_general3A_487, %add3A_488 : vector<128x64xf32>
    %add3A_490 = vector.broadcast %dot_general3A_279 : vector<1x64xf32> to vector<128x64xf32>
    %add3A_491 = arith.addf %add3A_489, %add3A_490 : vector<128x64xf32>
    %slice3A_492 = vector.extract_strided_slice %convert_element_type3A_227 {offsets = [1152, 0], sizes = [128, 64], strides = [1, 1]} : vector<2048x64xf32> to vector<128x64xf32>
    %mul3A_493 = arith.mulf %add3A_491, %slice3A_492 : vector<128x64xf32>
    %reduce_sum3A_494 = arith.constant dense<0.000000e+00> : vector<128xf32>
    %reduce_sum3A_495 = vector.multi_reduction <add>, %mul3A_493, %reduce_sum3A_494 [1] : vector<128x64xf32> to vector<128xf32>
    %broadcast_in_dim3A_496 = vector.shape_cast %reduce_sum3A_495 : vector<128xf32> to vector<128x1xf32>
    %slice3A_497 = vector.extract_strided_slice %convert_element_type3A_231 {offsets = [1152, 0], sizes = [128, 64], strides = [1, 1]} : vector<2048x64xf32> to vector<128x64xf32>
    %mul3A_498 = arith.mulf %add3A_491, %slice3A_497 : vector<128x64xf32>
    %reduce_sum3A_499 = arith.constant dense<0.000000e+00> : vector<128xf32>
    %reduce_sum3A_500 = vector.multi_reduction <add>, %mul3A_498, %reduce_sum3A_499 [1] : vector<128x64xf32> to vector<128xf32>
    %broadcast_in_dim3A_501 = vector.shape_cast %reduce_sum3A_500 : vector<128xf32> to vector<128x1xf32>
    %slice3A_502 = vector.extract_strided_slice %add3A_232 {offsets = [1152, 0], sizes = [128, 64], strides = [1, 1]} : vector<2048x64xf32> to vector<128x64xf32>
    %reduce_sum3A_503 = arith.constant dense<0.000000e+00> : vector<64xf32>
    %reduce_sum3A_504 = vector.multi_reduction <add>, %slice3A_502, %reduce_sum3A_503 [0] : vector<128x64xf32> to vector<64xf32>
    %broadcast_in_dim3A_505 = vector.shape_cast %reduce_sum3A_504 : vector<64xf32> to vector<1x64xf32>
    %add3A_506 = arith.addf %add3A_484, %broadcast_in_dim3A_505 : vector<1x64xf32>
    %slice3A_507 = vector.extract_strided_slice %add3A_232 {offsets = [1280, 0], sizes = [128, 64], strides = [1, 1]} : vector<2048x64xf32> to vector<128x64xf32>
    %dot_general3A_508 = arith.constant dense<0.000000e+00> : vector<128x64xf32>
    %dot_general3A_509 = tpu.matmul %convert_element_type3A_284, %slice3A_507, %dot_general3A_508 {dimension_numbers = #tpu.dot_dimension_numbers<[1], [0], [0], [1], [0, 0, 1, 1], [], []>, precision = #tpu.contract_precision<fp32>, transpose_lhs_hint = false} : vector<128x128xf32>, vector<128x64xf32>, vector<128x64xf32> -> vector<128x64xf32>
    %add3A_510 = vector.broadcast %add3A_506 : vector<1x64xf32> to vector<128x64xf32>
    %add3A_511 = arith.addf %dot_general3A_509, %add3A_510 : vector<128x64xf32>
    %add3A_512 = vector.broadcast %dot_general3A_279 : vector<1x64xf32> to vector<128x64xf32>
    %add3A_513 = arith.addf %add3A_511, %add3A_512 : vector<128x64xf32>
    %slice3A_514 = vector.extract_strided_slice %convert_element_type3A_227 {offsets = [1280, 0], sizes = [128, 64], strides = [1, 1]} : vector<2048x64xf32> to vector<128x64xf32>
    %mul3A_515 = arith.mulf %add3A_513, %slice3A_514 : vector<128x64xf32>
    %reduce_sum3A_516 = arith.constant dense<0.000000e+00> : vector<128xf32>
    %reduce_sum3A_517 = vector.multi_reduction <add>, %mul3A_515, %reduce_sum3A_516 [1] : vector<128x64xf32> to vector<128xf32>
    %broadcast_in_dim3A_518 = vector.shape_cast %reduce_sum3A_517 : vector<128xf32> to vector<128x1xf32>
    %slice3A_519 = vector.extract_strided_slice %convert_element_type3A_231 {offsets = [1280, 0], sizes = [128, 64], strides = [1, 1]} : vector<2048x64xf32> to vector<128x64xf32>
    %mul3A_520 = arith.mulf %add3A_513, %slice3A_519 : vector<128x64xf32>
    %reduce_sum3A_521 = arith.constant dense<0.000000e+00> : vector<128xf32>
    %reduce_sum3A_522 = vector.multi_reduction <add>, %mul3A_520, %reduce_sum3A_521 [1] : vector<128x64xf32> to vector<128xf32>
    %broadcast_in_dim3A_523 = vector.shape_cast %reduce_sum3A_522 : vector<128xf32> to vector<128x1xf32>
    %slice3A_524 = vector.extract_strided_slice %add3A_232 {offsets = [1280, 0], sizes = [128, 64], strides = [1, 1]} : vector<2048x64xf32> to vector<128x64xf32>
    %reduce_sum3A_525 = arith.constant dense<0.000000e+00> : vector<64xf32>
    %reduce_sum3A_526 = vector.multi_reduction <add>, %slice3A_524, %reduce_sum3A_525 [0] : vector<128x64xf32> to vector<64xf32>
    %broadcast_in_dim3A_527 = vector.shape_cast %reduce_sum3A_526 : vector<64xf32> to vector<1x64xf32>
    %add3A_528 = arith.addf %add3A_506, %broadcast_in_dim3A_527 : vector<1x64xf32>
    %slice3A_529 = vector.extract_strided_slice %add3A_232 {offsets = [1408, 0], sizes = [128, 64], strides = [1, 1]} : vector<2048x64xf32> to vector<128x64xf32>
    %dot_general3A_530 = arith.constant dense<0.000000e+00> : vector<128x64xf32>
    %dot_general3A_531 = tpu.matmul %convert_element_type3A_284, %slice3A_529, %dot_general3A_530 {dimension_numbers = #tpu.dot_dimension_numbers<[1], [0], [0], [1], [0, 0, 1, 1], [], []>, precision = #tpu.contract_precision<fp32>, transpose_lhs_hint = false} : vector<128x128xf32>, vector<128x64xf32>, vector<128x64xf32> -> vector<128x64xf32>
    %add3A_532 = vector.broadcast %add3A_528 : vector<1x64xf32> to vector<128x64xf32>
    %add3A_533 = arith.addf %dot_general3A_531, %add3A_532 : vector<128x64xf32>
    %add3A_534 = vector.broadcast %dot_general3A_279 : vector<1x64xf32> to vector<128x64xf32>
    %add3A_535 = arith.addf %add3A_533, %add3A_534 : vector<128x64xf32>
    %slice3A_536 = vector.extract_strided_slice %convert_element_type3A_227 {offsets = [1408, 0], sizes = [128, 64], strides = [1, 1]} : vector<2048x64xf32> to vector<128x64xf32>
    %mul3A_537 = arith.mulf %add3A_535, %slice3A_536 : vector<128x64xf32>
    %reduce_sum3A_538 = arith.constant dense<0.000000e+00> : vector<128xf32>
    %reduce_sum3A_539 = vector.multi_reduction <add>, %mul3A_537, %reduce_sum3A_538 [1] : vector<128x64xf32> to vector<128xf32>
    %broadcast_in_dim3A_540 = vector.shape_cast %reduce_sum3A_539 : vector<128xf32> to vector<128x1xf32>
    %slice3A_541 = vector.extract_strided_slice %convert_element_type3A_231 {offsets = [1408, 0], sizes = [128, 64], strides = [1, 1]} : vector<2048x64xf32> to vector<128x64xf32>
    %mul3A_542 = arith.mulf %add3A_535, %slice3A_541 : vector<128x64xf32>
    %reduce_sum3A_543 = arith.constant dense<0.000000e+00> : vector<128xf32>
    %reduce_sum3A_544 = vector.multi_reduction <add>, %mul3A_542, %reduce_sum3A_543 [1] : vector<128x64xf32> to vector<128xf32>
    %broadcast_in_dim3A_545 = vector.shape_cast %reduce_sum3A_544 : vector<128xf32> to vector<128x1xf32>
    %slice3A_546 = vector.extract_strided_slice %add3A_232 {offsets = [1408, 0], sizes = [128, 64], strides = [1, 1]} : vector<2048x64xf32> to vector<128x64xf32>
    %reduce_sum3A_547 = arith.constant dense<0.000000e+00> : vector<64xf32>
    %reduce_sum3A_548 = vector.multi_reduction <add>, %slice3A_546, %reduce_sum3A_547 [0] : vector<128x64xf32> to vector<64xf32>
    %broadcast_in_dim3A_549 = vector.shape_cast %reduce_sum3A_548 : vector<64xf32> to vector<1x64xf32>
    %add3A_550 = arith.addf %add3A_528, %broadcast_in_dim3A_549 : vector<1x64xf32>
    %slice3A_551 = vector.extract_strided_slice %add3A_232 {offsets = [1536, 0], sizes = [128, 64], strides = [1, 1]} : vector<2048x64xf32> to vector<128x64xf32>
    %dot_general3A_552 = arith.constant dense<0.000000e+00> : vector<128x64xf32>
    %dot_general3A_553 = tpu.matmul %convert_element_type3A_284, %slice3A_551, %dot_general3A_552 {dimension_numbers = #tpu.dot_dimension_numbers<[1], [0], [0], [1], [0, 0, 1, 1], [], []>, precision = #tpu.contract_precision<fp32>, transpose_lhs_hint = false} : vector<128x128xf32>, vector<128x64xf32>, vector<128x64xf32> -> vector<128x64xf32>
    %add3A_554 = vector.broadcast %add3A_550 : vector<1x64xf32> to vector<128x64xf32>
    %add3A_555 = arith.addf %dot_general3A_553, %add3A_554 : vector<128x64xf32>
    %add3A_556 = vector.broadcast %dot_general3A_279 : vector<1x64xf32> to vector<128x64xf32>
    %add3A_557 = arith.addf %add3A_555, %add3A_556 : vector<128x64xf32>
    %slice3A_558 = vector.extract_strided_slice %convert_element_type3A_227 {offsets = [1536, 0], sizes = [128, 64], strides = [1, 1]} : vector<2048x64xf32> to vector<128x64xf32>
    %mul3A_559 = arith.mulf %add3A_557, %slice3A_558 : vector<128x64xf32>
    %reduce_sum3A_560 = arith.constant dense<0.000000e+00> : vector<128xf32>
    %reduce_sum3A_561 = vector.multi_reduction <add>, %mul3A_559, %reduce_sum3A_560 [1] : vector<128x64xf32> to vector<128xf32>
    %broadcast_in_dim3A_562 = vector.shape_cast %reduce_sum3A_561 : vector<128xf32> to vector<128x1xf32>
    %slice3A_563 = vector.extract_strided_slice %convert_element_type3A_231 {offsets = [1536, 0], sizes = [128, 64], strides = [1, 1]} : vector<2048x64xf32> to vector<128x64xf32>
    %mul3A_564 = arith.mulf %add3A_557, %slice3A_563 : vector<128x64xf32>
    %reduce_sum3A_565 = arith.constant dense<0.000000e+00> : vector<128xf32>
    %reduce_sum3A_566 = vector.multi_reduction <add>, %mul3A_564, %reduce_sum3A_565 [1] : vector<128x64xf32> to vector<128xf32>
    %broadcast_in_dim3A_567 = vector.shape_cast %reduce_sum3A_566 : vector<128xf32> to vector<128x1xf32>
    %slice3A_568 = vector.extract_strided_slice %add3A_232 {offsets = [1536, 0], sizes = [128, 64], strides = [1, 1]} : vector<2048x64xf32> to vector<128x64xf32>
    %reduce_sum3A_569 = arith.constant dense<0.000000e+00> : vector<64xf32>
    %reduce_sum3A_570 = vector.multi_reduction <add>, %slice3A_568, %reduce_sum3A_569 [0] : vector<128x64xf32> to vector<64xf32>
    %broadcast_in_dim3A_571 = vector.shape_cast %reduce_sum3A_570 : vector<64xf32> to vector<1x64xf32>
    %add3A_572 = arith.addf %add3A_550, %broadcast_in_dim3A_571 : vector<1x64xf32>
    %slice3A_573 = vector.extract_strided_slice %add3A_232 {offsets = [1664, 0], sizes = [128, 64], strides = [1, 1]} : vector<2048x64xf32> to vector<128x64xf32>
    %dot_general3A_574 = arith.constant dense<0.000000e+00> : vector<128x64xf32>
    %dot_general3A_575 = tpu.matmul %convert_element_type3A_284, %slice3A_573, %dot_general3A_574 {dimension_numbers = #tpu.dot_dimension_numbers<[1], [0], [0], [1], [0, 0, 1, 1], [], []>, precision = #tpu.contract_precision<fp32>, transpose_lhs_hint = false} : vector<128x128xf32>, vector<128x64xf32>, vector<128x64xf32> -> vector<128x64xf32>
    %add3A_576 = vector.broadcast %add3A_572 : vector<1x64xf32> to vector<128x64xf32>
    %add3A_577 = arith.addf %dot_general3A_575, %add3A_576 : vector<128x64xf32>
    %add3A_578 = vector.broadcast %dot_general3A_279 : vector<1x64xf32> to vector<128x64xf32>
    %add3A_579 = arith.addf %add3A_577, %add3A_578 : vector<128x64xf32>
    %slice3A_580 = vector.extract_strided_slice %convert_element_type3A_227 {offsets = [1664, 0], sizes = [128, 64], strides = [1, 1]} : vector<2048x64xf32> to vector<128x64xf32>
    %mul3A_581 = arith.mulf %add3A_579, %slice3A_580 : vector<128x64xf32>
    %reduce_sum3A_582 = arith.constant dense<0.000000e+00> : vector<128xf32>
    %reduce_sum3A_583 = vector.multi_reduction <add>, %mul3A_581, %reduce_sum3A_582 [1] : vector<128x64xf32> to vector<128xf32>
    %broadcast_in_dim3A_584 = vector.shape_cast %reduce_sum3A_583 : vector<128xf32> to vector<128x1xf32>
    %slice3A_585 = vector.extract_strided_slice %convert_element_type3A_231 {offsets = [1664, 0], sizes = [128, 64], strides = [1, 1]} : vector<2048x64xf32> to vector<128x64xf32>
    %mul3A_586 = arith.mulf %add3A_579, %slice3A_585 : vector<128x64xf32>
    %reduce_sum3A_587 = arith.constant dense<0.000000e+00> : vector<128xf32>
    %reduce_sum3A_588 = vector.multi_reduction <add>, %mul3A_586, %reduce_sum3A_587 [1] : vector<128x64xf32> to vector<128xf32>
    %broadcast_in_dim3A_589 = vector.shape_cast %reduce_sum3A_588 : vector<128xf32> to vector<128x1xf32>
    %slice3A_590 = vector.extract_strided_slice %add3A_232 {offsets = [1664, 0], sizes = [128, 64], strides = [1, 1]} : vector<2048x64xf32> to vector<128x64xf32>
    %reduce_sum3A_591 = arith.constant dense<0.000000e+00> : vector<64xf32>
    %reduce_sum3A_592 = vector.multi_reduction <add>, %slice3A_590, %reduce_sum3A_591 [0] : vector<128x64xf32> to vector<64xf32>
    %broadcast_in_dim3A_593 = vector.shape_cast %reduce_sum3A_592 : vector<64xf32> to vector<1x64xf32>
    %add3A_594 = arith.addf %add3A_572, %broadcast_in_dim3A_593 : vector<1x64xf32>
    %slice3A_595 = vector.extract_strided_slice %add3A_232 {offsets = [1792, 0], sizes = [128, 64], strides = [1, 1]} : vector<2048x64xf32> to vector<128x64xf32>
    %dot_general3A_596 = arith.constant dense<0.000000e+00> : vector<128x64xf32>
    %dot_general3A_597 = tpu.matmul %convert_element_type3A_284, %slice3A_595, %dot_general3A_596 {dimension_numbers = #tpu.dot_dimension_numbers<[1], [0], [0], [1], [0, 0, 1, 1], [], []>, precision = #tpu.contract_precision<fp32>, transpose_lhs_hint = false} : vector<128x128xf32>, vector<128x64xf32>, vector<128x64xf32> -> vector<128x64xf32>
    %add3A_598 = vector.broadcast %add3A_594 : vector<1x64xf32> to vector<128x64xf32>
    %add3A_599 = arith.addf %dot_general3A_597, %add3A_598 : vector<128x64xf32>
    %add3A_600 = vector.broadcast %dot_general3A_279 : vector<1x64xf32> to vector<128x64xf32>
    %add3A_601 = arith.addf %add3A_599, %add3A_600 : vector<128x64xf32>
    %slice3A_602 = vector.extract_strided_slice %convert_element_type3A_227 {offsets = [1792, 0], sizes = [128, 64], strides = [1, 1]} : vector<2048x64xf32> to vector<128x64xf32>
    %mul3A_603 = arith.mulf %add3A_601, %slice3A_602 : vector<128x64xf32>
    %reduce_sum3A_604 = arith.constant dense<0.000000e+00> : vector<128xf32>
    %reduce_sum3A_605 = vector.multi_reduction <add>, %mul3A_603, %reduce_sum3A_604 [1] : vector<128x64xf32> to vector<128xf32>
    %broadcast_in_dim3A_606 = vector.shape_cast %reduce_sum3A_605 : vector<128xf32> to vector<128x1xf32>
    %slice3A_607 = vector.extract_strided_slice %convert_element_type3A_231 {offsets = [1792, 0], sizes = [128, 64], strides = [1, 1]} : vector<2048x64xf32> to vector<128x64xf32>
    %mul3A_608 = arith.mulf %add3A_601, %slice3A_607 : vector<128x64xf32>
    %reduce_sum3A_609 = arith.constant dense<0.000000e+00> : vector<128xf32>
    %reduce_sum3A_610 = vector.multi_reduction <add>, %mul3A_608, %reduce_sum3A_609 [1] : vector<128x64xf32> to vector<128xf32>
    %broadcast_in_dim3A_611 = vector.shape_cast %reduce_sum3A_610 : vector<128xf32> to vector<128x1xf32>
    %slice3A_612 = vector.extract_strided_slice %add3A_232 {offsets = [1792, 0], sizes = [128, 64], strides = [1, 1]} : vector<2048x64xf32> to vector<128x64xf32>
    %reduce_sum3A_613 = arith.constant dense<0.000000e+00> : vector<64xf32>
    %reduce_sum3A_614 = vector.multi_reduction <add>, %slice3A_612, %reduce_sum3A_613 [0] : vector<128x64xf32> to vector<64xf32>
    %broadcast_in_dim3A_615 = vector.shape_cast %reduce_sum3A_614 : vector<64xf32> to vector<1x64xf32>
    %add3A_616 = arith.addf %add3A_594, %broadcast_in_dim3A_615 : vector<1x64xf32>
    %slice3A_617 = vector.extract_strided_slice %add3A_232 {offsets = [1920, 0], sizes = [128, 64], strides = [1, 1]} : vector<2048x64xf32> to vector<128x64xf32>
    %dot_general3A_618 = arith.constant dense<0.000000e+00> : vector<128x64xf32>
    %dot_general3A_619 = tpu.matmul %convert_element_type3A_284, %slice3A_617, %dot_general3A_618 {dimension_numbers = #tpu.dot_dimension_numbers<[1], [0], [0], [1], [0, 0, 1, 1], [], []>, precision = #tpu.contract_precision<fp32>, transpose_lhs_hint = false} : vector<128x128xf32>, vector<128x64xf32>, vector<128x64xf32> -> vector<128x64xf32>
    %add3A_620 = vector.broadcast %add3A_616 : vector<1x64xf32> to vector<128x64xf32>
    %add3A_621 = arith.addf %dot_general3A_619, %add3A_620 : vector<128x64xf32>
    %add3A_622 = vector.broadcast %dot_general3A_279 : vector<1x64xf32> to vector<128x64xf32>
    %add3A_623 = arith.addf %add3A_621, %add3A_622 : vector<128x64xf32>
    %slice3A_624 = vector.extract_strided_slice %convert_element_type3A_227 {offsets = [1920, 0], sizes = [128, 64], strides = [1, 1]} : vector<2048x64xf32> to vector<128x64xf32>
    %mul3A_625 = arith.mulf %add3A_623, %slice3A_624 : vector<128x64xf32>
    %reduce_sum3A_626 = arith.constant dense<0.000000e+00> : vector<128xf32>
    %reduce_sum3A_627 = vector.multi_reduction <add>, %mul3A_625, %reduce_sum3A_626 [1] : vector<128x64xf32> to vector<128xf32>
    %broadcast_in_dim3A_628 = vector.shape_cast %reduce_sum3A_627 : vector<128xf32> to vector<128x1xf32>
    %slice3A_629 = vector.extract_strided_slice %convert_element_type3A_231 {offsets = [1920, 0], sizes = [128, 64], strides = [1, 1]} : vector<2048x64xf32> to vector<128x64xf32>
    %mul3A_630 = arith.mulf %add3A_623, %slice3A_629 : vector<128x64xf32>
    %reduce_sum3A_631 = arith.constant dense<0.000000e+00> : vector<128xf32>
    %reduce_sum3A_632 = vector.multi_reduction <add>, %mul3A_630, %reduce_sum3A_631 [1] : vector<128x64xf32> to vector<128xf32>
    %broadcast_in_dim3A_633 = vector.shape_cast %reduce_sum3A_632 : vector<128xf32> to vector<128x1xf32>
    %concatenate3A = tpu.concatenate %broadcast_in_dim3A_298, %broadcast_in_dim3A_320, %broadcast_in_dim3A_342, %broadcast_in_dim3A_364, %broadcast_in_dim3A_386, %broadcast_in_dim3A_408, %broadcast_in_dim3A_430, %broadcast_in_dim3A_452, %broadcast_in_dim3A_474, %broadcast_in_dim3A_496, %broadcast_in_dim3A_518, %broadcast_in_dim3A_540, %broadcast_in_dim3A_562, %broadcast_in_dim3A_584, %broadcast_in_dim3A_606, %broadcast_in_dim3A_628 in 0 : vector<128x1xf32>, vector<128x1xf32>, vector<128x1xf32>, vector<128x1xf32>, vector<128x1xf32>, vector<128x1xf32>, vector<128x1xf32>, vector<128x1xf32>, vector<128x1xf32>, vector<128x1xf32>, vector<128x1xf32>, vector<128x1xf32>, vector<128x1xf32>, vector<128x1xf32>, vector<128x1xf32>, vector<128x1xf32> -> vector<2048x1xf32>
    %convert_element_type3A_634 = arith.fptosi %concatenate3A : vector<2048x1xf32> to vector<2048x1xi32>
    %swap3A_635 = arith.constant 0 : index
    %swap3A_636 = arith.constant 0 : index
    %swap3A_637 = vector.load %arg5[%swap3A_635, %swap3A_636] : memref<2048x1xi32, #tpu.memory_space<vmem>>, vector<2048x1xi32>
    tpu.vector_store %arg5[%swap3A_635, %swap3A_636], %convert_element_type3A_634 {strides = array<i32>} : memref<2048x1xi32, #tpu.memory_space<vmem>>, vector<2048x1xi32>,
    %concatenate3A_638 = tpu.concatenate %broadcast_in_dim3A_303, %broadcast_in_dim3A_325, %broadcast_in_dim3A_347, %broadcast_in_dim3A_369, %broadcast_in_dim3A_391, %broadcast_in_dim3A_413, %broadcast_in_dim3A_435, %broadcast_in_dim3A_457, %broadcast_in_dim3A_479, %broadcast_in_dim3A_501, %broadcast_in_dim3A_523, %broadcast_in_dim3A_545, %broadcast_in_dim3A_567, %broadcast_in_dim3A_589, %broadcast_in_dim3A_611, %broadcast_in_dim3A_633 in 0 : vector<128x1xf32>, vector<128x1xf32>, vector<128x1xf32>, vector<128x1xf32>, vector<128x1xf32>, vector<128x1xf32>, vector<128x1xf32>, vector<128x1xf32>, vector<128x1xf32>, vector<128x1xf32>, vector<128x1xf32>, vector<128x1xf32>, vector<128x1xf32>, vector<128x1xf32>, vector<128x1xf32>, vector<128x1xf32> -> vector<2048x1xf32>
    %convert_element_type3A_639 = arith.fptosi %concatenate3A_638 : vector<2048x1xf32> to vector<2048x1xi32>
    %swap3A_640 = arith.constant 0 : index
    %swap3A_641 = arith.constant 0 : index
    %swap3A_642 = vector.load %arg6[%swap3A_640, %swap3A_641] : memref<2048x1xi32, #tpu.memory_space<vmem>>, vector<2048x1xi32>
    tpu.vector_store %arg6[%swap3A_640, %swap3A_641], %convert_element_type3A_639 {strides = array<i32>} : memref<2048x1xi32, #tpu.memory_space<vmem>>, vector<2048x1xi32>,
    %iota3A_643 = tpu.iota {dimensions = array<i32: 0>} : vector<96x1xi32>
    %mul3A_644 = arith.constant 128 : i32
    %mul3A_645 = vector.broadcast %mul3A_644 : i32 to vector<96x1xi32>
    %mul3A_646 = arith.muli %iota3A_643, %mul3A_645 : vector<96x1xi32>
    %convert_element_type3A_647 = arith.sitofp %mul3A_646 : vector<96x1xi32> to vector<96x1xf32>
    %le3A = vector.broadcast %dot_general3A_279 : vector<1x64xf32> to vector<96x64xf32>
    %le3A_648 = vector.broadcast %convert_element_type3A_647 : vector<96x1xf32> to vector<96x64xf32>
    %le3A_649 = arith.cmpf ole, %le3A, %le3A_648 : vector<96x64xf32>
    %convert_element_type3A_650 = arith.extui %le3A_649 : vector<96x64xi1> to vector<96x64xi32>
    %convert_element_type3A_651 = arith.sitofp %convert_element_type3A_650 : vector<96x64xi32> to vector<96x64xf32>
    %reduce_sum3A_652 = arith.constant dense<0.000000e+00> : vector<96xf32>
    %reduce_sum3A_653 = vector.multi_reduction <add>, %convert_element_type3A_651, %reduce_sum3A_652 [1] : vector<96x64xf32> to vector<96xf32>
    %broadcast_in_dim3A_654 = vector.shape_cast %reduce_sum3A_653 : vector<96xf32> to vector<96x1xf32>
    %sub3A_655 = arith.constant 1.000000e+00 : f32
    %sub3A_656 = vector.broadcast %sub3A_655 : f32 to vector<96x1xf32>
    %sub3A_657 = arith.subf %broadcast_in_dim3A_654, %sub3A_656 : vector<96x1xf32>
    %jit3A_658 = arith.constant 0.000000e+00 : f32
    %jit3A_659 = arith.constant 6.300000e+01 : f32
    %max3A_660 = vector.broadcast %jit3A_658 : f32 to vector<96x1xf32>
    %max3A_661 = arith.maximumf %max3A_660, %sub3A_657 : vector<96x1xf32>
    %min3A = vector.broadcast %jit3A_659 : f32 to vector<96x1xf32>
    %min3A_662 = arith.minimumf %min3A, %max3A_661 : vector<96x1xf32>
    %reduce_sum3A_663 = arith.constant dense<0.000000e+00> : vector<1xf32>
    %reduce_sum3A_664 = vector.multi_reduction <add>, %convert_element_type3A_273, %reduce_sum3A_663 [1] : vector<1x64xf32> to vector<1xf32>
    %broadcast_in_dim3A_665 = vector.shape_cast %reduce_sum3A_664 : vector<1xf32> to vector<1x1xf32>
    %lt3A_666 = vector.broadcast %broadcast_in_dim3A_665 : vector<1x1xf32> to vector<96x1xf32>
    %lt3A_667 = arith.cmpf olt, %convert_element_type3A_647, %lt3A_666 : vector<96x1xf32>
    %convert_element_type3A_668 = arith.extui %lt3A_667 : vector<96x1xi1> to vector<96x1xi32>
    %convert_element_type3A_669 = arith.sitofp %convert_element_type3A_668 : vector<96x1xi32> to vector<96x1xf32>
    %add3A_670 = arith.constant 1.280000e+02 : f32
    %add3A_671 = vector.broadcast %add3A_670 : f32 to vector<96x1xf32>
    %add3A_672 = arith.addf %convert_element_type3A_647, %add3A_671 : vector<96x1xf32>
    %ge3A = vector.broadcast %broadcast_in_dim3A_665 : vector<1x1xf32> to vector<96x1xf32>
    %ge3A_673 = arith.cmpf oge, %add3A_672, %ge3A : vector<96x1xf32>
    %convert_element_type3A_674 = arith.extui %ge3A_673 : vector<96x1xi1> to vector<96x1xi32>
    %convert_element_type3A_675 = arith.sitofp %convert_element_type3A_674 : vector<96x1xi32> to vector<96x1xf32>
    %mul3A_676 = arith.mulf %convert_element_type3A_675, %convert_element_type3A_669 : vector<96x1xf32>
    %mul3A_677 = arith.mulf %min3A_662, %mul3A_676 : vector<96x1xf32>
    %reduce_sum3A_678 = arith.constant dense<0.000000e+00> : vector<1xf32>
    %reduce_sum3A_679 = vector.multi_reduction <add>, %mul3A_677, %reduce_sum3A_678 [0] : vector<96x1xf32> to vector<1xf32>
    %broadcast_in_dim3A_680 = vector.shape_cast %reduce_sum3A_679 : vector<1xf32> to vector<1x1xf32>
    %mul3A_681 = arith.mulf %min3A_662, %convert_element_type3A_669 : vector<96x1xf32>
    %sub3A_682 = arith.constant 1.000000e+00 : f32
    %sub3A_683 = vector.broadcast %sub3A_682 : f32 to vector<96x1xf32>
    %sub3A_684 = arith.subf %sub3A_683, %convert_element_type3A_669 : vector<96x1xf32>
    %mul3A_685 = vector.broadcast %broadcast_in_dim3A_680 : vector<1x1xf32> to vector<96x1xf32>
    %mul3A_686 = arith.mulf %mul3A_685, %sub3A_684 : vector<96x1xf32>
    %add3A_687 = arith.addf %mul3A_681, %mul3A_686 : vector<96x1xf32>
    %convert_element_type3A_688 = arith.fptosi %add3A_687 : vector<96x1xf32> to vector<96x1xi32>
    %swap3A_689 = arith.constant 0 : index
    %swap3A_690 = arith.constant 0 : index
    %swap3A_691 = vector.load %arg9[%swap3A_689, %swap3A_690] : memref<96x1xi32, #tpu.memory_space<vmem>>, vector<96x1xi32>
    tpu.vector_store %arg9[%swap3A_689, %swap3A_690], %convert_element_type3A_688 {strides = array<i32>} : memref<96x1xi32, #tpu.memory_space<vmem>>, vector<96x1xi32>,
    %convert_element_type3A_692 = arith.fptosi %convert_element_type3A_669 : vector<96x1xf32> to vector<96x1xi32>
    %swap3A_693 = arith.constant 0 : index
    %swap3A_694 = arith.constant 0 : index
    %swap3A_695 = vector.load %arg10[%swap3A_693, %swap3A_694] : memref<96x1xi32, #tpu.memory_space<vmem>>, vector<96x1xi32>
    tpu.vector_store %arg10[%swap3A_693, %swap3A_694], %convert_element_type3A_692 {strides = array<i32>} : memref<96x1xi32, #tpu.memory_space<vmem>>, vector<96x1xi32>,
    %mul3A_696 = arith.constant 7.812500e-03 : f32
    %mul3A_697 = vector.broadcast %mul3A_696 : f32 to vector<1x1xf32>
    %mul3A_698 = arith.mulf %broadcast_in_dim3A_665, %mul3A_697 : vector<1x1xf32>
    %convert_element_type3A_699 = arith.fptosi %mul3A_698 : vector<1x1xf32> to vector<1x1xi32>
    %swap3A_700 = arith.constant 0 : index
    %swap3A_701 = arith.constant 0 : index
    %swap3A_702 = vector.load %arg11[%swap3A_700, %swap3A_701] : memref<1x1xi32, #tpu.memory_space<vmem>>, vector<1x1xi32>
    tpu.vector_store %arg11[%swap3A_700, %swap3A_701], %convert_element_type3A_699 {strides = array<i32>} : memref<1x1xi32, #tpu.memory_space<vmem>>, vector<1x1xi32>,
    return
  }
}

module attributes {stable_mosaic.version = 14 : i64} {
  func.func @_mlp_body(%arg0: i32, %arg1: memref<96xi32, #tpu.memory_space<smem>>, %arg2: memref<96xi32, #tpu.memory_space<smem>>, %arg3: memref<1xi32, #tpu.memory_space<smem>>, %arg4: memref<128x768xf32, #tpu.memory_space<vmem>>, %arg5: memref<1x768x768xf32, #tpu.memory_space<vmem>>, %arg6: memref<1x1x768xf32, #tpu.memory_space<vmem>>, %arg7: memref<1x768x768xf32, #tpu.memory_space<vmem>>, %arg8: memref<1x1x768xf32, #tpu.memory_space<vmem>>, %arg9: memref<1x768x768xf32, #tpu.memory_space<vmem>>, %arg10: memref<1x1x768xf32, #tpu.memory_space<vmem>>, %arg11: memref<128x768xf32, #tpu.memory_space<vmem>>) attributes {dimension_semantics = [#tpu.dimension_semantics<arbitrary>], iteration_bounds = array<i64: 96>, scalar_prefetch = 3 : i64, scratch_operands = 0 : i64, tpu.core_type = #tpu.core_type<tc>, window_params = [{transform_indices = @transform_0, window_bounds = array<i64: 128, 768>}, {transform_indices = @transform_1, window_bounds = array<i64: 1, 768, 768>}, {transform_indices = @transform_2, window_bounds = array<i64: 1, 1, 768>}, {transform_indices = @transform_3, window_bounds = array<i64: 1, 768, 768>}, {transform_indices = @transform_4, window_bounds = array<i64: 1, 1, 768>}, {transform_indices = @transform_5, window_bounds = array<i64: 1, 768, 768>}, {transform_indices = @transform_6, window_bounds = array<i64: 1, 1, 768>}, {transform_indices = @transform_7, window_bounds = array<i64: 128, 768>}]} {
    %get3A = arith.index_cast %arg0 : i32 to index
    %get3A_0 = memref.load %arg2[%get3A] : memref<96xi32, #tpu.memory_space<smem>>
    %eq3A = arith.constant 1 : i32
    %eq3A_1 = arith.cmpi eq, %get3A_0, %eq3A : i32
    %convert_element_type3A = arith.extui %eq3A_1 : i1 to i32
    %cond3A = arith.constant 0 : i32
    %cond3A_2 = arith.cmpi ne, %convert_element_type3A, %cond3A : i32
    scf.if %cond3A_2 {
      %get3A_3 = arith.constant 0 : index
      %get3A_4 = arith.constant 0 : index
      %get3A_5 = vector.load %arg4[%get3A_3, %get3A_4] : memref<128x768xf32, #tpu.memory_space<vmem>>, vector<128x768xf32>
      %get3A_6 = arith.constant 0 : index
      %get3A_7 = arith.constant 0 : index
      %get3A_8 = arith.constant 0 : index
      %get3A_9 = vector.load %arg5[%get3A_6, %get3A_7, %get3A_8] : memref<1x768x768xf32, #tpu.memory_space<vmem>>, vector<1x768x768xf32>
      %get3A_10 = vector.shape_cast %get3A_9 : vector<1x768x768xf32> to vector<768x768xf32>
      %dot_general3A = arith.constant dense<0.000000e+00> : vector<128x768xf32>
      %dot_general3A_11 = tpu.matmul %get3A_5, %get3A_10, %dot_general3A {dimension_numbers = #tpu.dot_dimension_numbers<[1], [0], [0], [1], [0, 0, 1, 1], [], []>, transpose_lhs_hint = false} : vector<128x768xf32>, vector<768x768xf32>, vector<128x768xf32> -> vector<128x768xf32>
      %get3A_12 = arith.constant 0 : index
      %get3A_13 = arith.constant 0 : index
      %get3A_14 = arith.constant 0 : index
      %get3A_15 = vector.load %arg6[%get3A_12, %get3A_13, %get3A_14] : memref<1x1x768xf32, #tpu.memory_space<vmem>>, vector<1x1x768xf32>
      %get3A_16 = vector.shape_cast %get3A_15 : vector<1x1x768xf32> to vector<1x768xf32>
      %add3A = vector.broadcast %get3A_16 : vector<1x768xf32> to vector<128x768xf32>
      %add3A_17 = arith.addf %dot_general3A_11, %add3A : vector<128x768xf32>
      %max3A = arith.constant 0.000000e+00 : f32
      %max3A_18 = vector.broadcast %max3A : f32 to vector<128x768xf32>
      %max3A_19 = arith.maximumf %add3A_17, %max3A_18 : vector<128x768xf32>
      %get3A_20 = arith.constant 0 : index
      %get3A_21 = arith.constant 0 : index
      %get3A_22 = arith.constant 0 : index
      %get3A_23 = vector.load %arg7[%get3A_20, %get3A_21, %get3A_22] : memref<1x768x768xf32, #tpu.memory_space<vmem>>, vector<1x768x768xf32>
      %get3A_24 = vector.shape_cast %get3A_23 : vector<1x768x768xf32> to vector<768x768xf32>
      %dot_general3A_25 = arith.constant dense<0.000000e+00> : vector<128x768xf32>
      %dot_general3A_26 = tpu.matmul %max3A_19, %get3A_24, %dot_general3A_25 {dimension_numbers = #tpu.dot_dimension_numbers<[1], [0], [0], [1], [0, 0, 1, 1], [], []>, transpose_lhs_hint = false} : vector<128x768xf32>, vector<768x768xf32>, vector<128x768xf32> -> vector<128x768xf32>
      %get3A_27 = arith.constant 0 : index
      %get3A_28 = arith.constant 0 : index
      %get3A_29 = arith.constant 0 : index
      %get3A_30 = vector.load %arg8[%get3A_27, %get3A_28, %get3A_29] : memref<1x1x768xf32, #tpu.memory_space<vmem>>, vector<1x1x768xf32>
      %get3A_31 = vector.shape_cast %get3A_30 : vector<1x1x768xf32> to vector<1x768xf32>
      %add3A_32 = vector.broadcast %get3A_31 : vector<1x768xf32> to vector<128x768xf32>
      %add3A_33 = arith.addf %dot_general3A_26, %add3A_32 : vector<128x768xf32>
      %add3A_34 = arith.addf %add3A_33, %get3A_5 : vector<128x768xf32>
      %max3A_35 = arith.constant 0.000000e+00 : f32
      %max3A_36 = vector.broadcast %max3A_35 : f32 to vector<128x768xf32>
      %max3A_37 = arith.maximumf %add3A_34, %max3A_36 : vector<128x768xf32>
      %get3A_38 = arith.constant 0 : index
      %get3A_39 = arith.constant 0 : index
      %get3A_40 = arith.constant 0 : index
      %get3A_41 = vector.load %arg9[%get3A_38, %get3A_39, %get3A_40] : memref<1x768x768xf32, #tpu.memory_space<vmem>>, vector<1x768x768xf32>
      %get3A_42 = vector.shape_cast %get3A_41 : vector<1x768x768xf32> to vector<768x768xf32>
      %dot_general3A_43 = arith.constant dense<0.000000e+00> : vector<128x768xf32>
      %dot_general3A_44 = tpu.matmul %max3A_37, %get3A_42, %dot_general3A_43 {dimension_numbers = #tpu.dot_dimension_numbers<[1], [0], [0], [1], [0, 0, 1, 1], [], []>, transpose_lhs_hint = false} : vector<128x768xf32>, vector<768x768xf32>, vector<128x768xf32> -> vector<128x768xf32>
      %get3A_45 = arith.constant 0 : index
      %get3A_46 = arith.constant 0 : index
      %get3A_47 = arith.constant 0 : index
      %get3A_48 = vector.load %arg10[%get3A_45, %get3A_46, %get3A_47] : memref<1x1x768xf32, #tpu.memory_space<vmem>>, vector<1x1x768xf32>
      %get3A_49 = vector.shape_cast %get3A_48 : vector<1x1x768xf32> to vector<1x768xf32>
      %add3A_50 = vector.broadcast %get3A_49 : vector<1x768xf32> to vector<128x768xf32>
      %add3A_51 = arith.addf %dot_general3A_44, %add3A_50 : vector<128x768xf32>
      %swap3A = arith.constant 0 : index
      %swap3A_52 = arith.constant 0 : index
      %swap3A_53 = vector.load %arg11[%swap3A, %swap3A_52] : memref<128x768xf32, #tpu.memory_space<vmem>>, vector<128x768xf32>
      tpu.vector_store %arg11[%swap3A, %swap3A_52], %add3A_51 {strides = array<i32>} : memref<128x768xf32, #tpu.memory_space<vmem>>, vector<128x768xf32>,
    } else {
    }
    return
  }
  func.func @transform_0(%arg0: i32, %arg1: memref<96xi32, #tpu.memory_space<smem>>, %arg2: memref<96xi32, #tpu.memory_space<smem>>, %arg3: memref<1xi32, #tpu.memory_space<smem>>) -> (i32, i32) {
    %get3A = arith.constant 0 : index
    %get3A_0 = memref.load %arg3[%get3A] : memref<1xi32, #tpu.memory_space<smem>>
    %sub3A = arith.constant 1 : i32
    %sub3A_1 = arith.subi %get3A_0, %sub3A : i32
    %min3A = arith.minsi %arg0, %sub3A_1 : i32
    %c0_i32 = arith.constant 0 : i32
    %c0_i32_2 = arith.constant 0 : i32
    return %min3A, %c0_i32 : i32, i32
  }
  func.func @transform_1(%arg0: i32, %arg1: memref<96xi32, #tpu.memory_space<smem>>, %arg2: memref<96xi32, #tpu.memory_space<smem>>, %arg3: memref<1xi32, #tpu.memory_space<smem>>) -> (i32, i32, i32) {
    %get3A = arith.index_cast %arg0 : i32 to index
    %get3A_0 = memref.load %arg1[%get3A] : memref<96xi32, #tpu.memory_space<smem>>
    %c0_i32 = arith.constant 0 : i32
    %c0_i32_1 = arith.constant 0 : i32
    %c0_i32_2 = arith.constant 0 : i32
    return %get3A_0, %c0_i32, %c0_i32_1 : i32, i32, i32
  }
  func.func @transform_2(%arg0: i32, %arg1: memref<96xi32, #tpu.memory_space<smem>>, %arg2: memref<96xi32, #tpu.memory_space<smem>>, %arg3: memref<1xi32, #tpu.memory_space<smem>>) -> (i32, i32, i32) {
    %get3A = arith.index_cast %arg0 : i32 to index
    %get3A_0 = memref.load %arg1[%get3A] : memref<96xi32, #tpu.memory_space<smem>>
    %c0_i32 = arith.constant 0 : i32
    %c0_i32_1 = arith.constant 0 : i32
    %c0_i32_2 = arith.constant 0 : i32
    return %get3A_0, %c0_i32, %c0_i32_1 : i32, i32, i32
  }
  func.func @transform_3(%arg0: i32, %arg1: memref<96xi32, #tpu.memory_space<smem>>, %arg2: memref<96xi32, #tpu.memory_space<smem>>, %arg3: memref<1xi32, #tpu.memory_space<smem>>) -> (i32, i32, i32) {
    %get3A = arith.index_cast %arg0 : i32 to index
    %get3A_0 = memref.load %arg1[%get3A] : memref<96xi32, #tpu.memory_space<smem>>
    %c0_i32 = arith.constant 0 : i32
    %c0_i32_1 = arith.constant 0 : i32
    %c0_i32_2 = arith.constant 0 : i32
    return %get3A_0, %c0_i32, %c0_i32_1 : i32, i32, i32
  }
  func.func @transform_4(%arg0: i32, %arg1: memref<96xi32, #tpu.memory_space<smem>>, %arg2: memref<96xi32, #tpu.memory_space<smem>>, %arg3: memref<1xi32, #tpu.memory_space<smem>>) -> (i32, i32, i32) {
    %get3A = arith.index_cast %arg0 : i32 to index
    %get3A_0 = memref.load %arg1[%get3A] : memref<96xi32, #tpu.memory_space<smem>>
    %c0_i32 = arith.constant 0 : i32
    %c0_i32_1 = arith.constant 0 : i32
    %c0_i32_2 = arith.constant 0 : i32
    return %get3A_0, %c0_i32, %c0_i32_1 : i32, i32, i32
  }
  func.func @transform_5(%arg0: i32, %arg1: memref<96xi32, #tpu.memory_space<smem>>, %arg2: memref<96xi32, #tpu.memory_space<smem>>, %arg3: memref<1xi32, #tpu.memory_space<smem>>) -> (i32, i32, i32) {
    %get3A = arith.index_cast %arg0 : i32 to index
    %get3A_0 = memref.load %arg1[%get3A] : memref<96xi32, #tpu.memory_space<smem>>
    %c0_i32 = arith.constant 0 : i32
    %c0_i32_1 = arith.constant 0 : i32
    %c0_i32_2 = arith.constant 0 : i32
    return %get3A_0, %c0_i32, %c0_i32_1 : i32, i32, i32
  }
  func.func @transform_6(%arg0: i32, %arg1: memref<96xi32, #tpu.memory_space<smem>>, %arg2: memref<96xi32, #tpu.memory_space<smem>>, %arg3: memref<1xi32, #tpu.memory_space<smem>>) -> (i32, i32, i32) {
    %get3A = arith.index_cast %arg0 : i32 to index
    %get3A_0 = memref.load %arg1[%get3A] : memref<96xi32, #tpu.memory_space<smem>>
    %c0_i32 = arith.constant 0 : i32
    %c0_i32_1 = arith.constant 0 : i32
    %c0_i32_2 = arith.constant 0 : i32
    return %get3A_0, %c0_i32, %c0_i32_1 : i32, i32, i32
  }
  func.func @transform_7(%arg0: i32, %arg1: memref<96xi32, #tpu.memory_space<smem>>, %arg2: memref<96xi32, #tpu.memory_space<smem>>, %arg3: memref<1xi32, #tpu.memory_space<smem>>) -> (i32, i32) {
    %get3A = arith.constant 0 : index
    %get3A_0 = memref.load %arg3[%get3A] : memref<1xi32, #tpu.memory_space<smem>>
    %sub3A = arith.constant 1 : i32
    %sub3A_1 = arith.subi %get3A_0, %sub3A : i32
    %min3A = arith.minsi %arg0, %sub3A_1 : i32
    %c0_i32 = arith.constant 0 : i32
    %c0_i32_2 = arith.constant 0 : i32
    return %min3A, %c0_i32 : i32, i32
  }
}

module attributes {stable_mosaic.version = 14 : i64} {
  func.func @_wadd_body(%arg0: i32, %arg1: memref<256x768xf32, #tpu.memory_space<vmem>>, %arg2: memref<256x768xf32, #tpu.memory_space<vmem>>, %arg3: memref<256x1xf32, #tpu.memory_space<vmem>>, %arg4: memref<256x1xf32, #tpu.memory_space<vmem>>, %arg5: memref<256x768xf32, #tpu.memory_space<vmem>>) attributes {dimension_semantics = [#tpu.dimension_semantics<arbitrary>], iteration_bounds = array<i64: 8>, scalar_prefetch = 0 : i64, scratch_operands = 0 : i64, tpu.core_type = #tpu.core_type<tc>, window_params = [{transform_indices = @transform_0, window_bounds = array<i64: 256, 768>}, {transform_indices = @transform_1, window_bounds = array<i64: 256, 768>}, {transform_indices = @transform_2, window_bounds = array<i64: 256, 1>}, {transform_indices = @transform_3, window_bounds = array<i64: 256, 1>}, {transform_indices = @transform_4, window_bounds = array<i64: 256, 768>}]} {
    %get3A = arith.constant 0 : index
    %get3A_0 = arith.constant 0 : index
    %get3A_1 = vector.load %arg1[%get3A, %get3A_0] : memref<256x768xf32, #tpu.memory_space<vmem>>, vector<256x768xf32>
    %get3A_2 = arith.constant 0 : index
    %get3A_3 = arith.constant 0 : index
    %get3A_4 = vector.load %arg3[%get3A_2, %get3A_3] : memref<256x1xf32, #tpu.memory_space<vmem>>, vector<256x1xf32>
    %mul3A = vector.broadcast %get3A_4 : vector<256x1xf32> to vector<256x768xf32>
    %mul3A_5 = arith.mulf %get3A_1, %mul3A : vector<256x768xf32>
    %get3A_6 = arith.constant 0 : index
    %get3A_7 = arith.constant 0 : index
    %get3A_8 = vector.load %arg2[%get3A_6, %get3A_7] : memref<256x768xf32, #tpu.memory_space<vmem>>, vector<256x768xf32>
    %get3A_9 = arith.constant 0 : index
    %get3A_10 = arith.constant 0 : index
    %get3A_11 = vector.load %arg4[%get3A_9, %get3A_10] : memref<256x1xf32, #tpu.memory_space<vmem>>, vector<256x1xf32>
    %mul3A_12 = vector.broadcast %get3A_11 : vector<256x1xf32> to vector<256x768xf32>
    %mul3A_13 = arith.mulf %get3A_8, %mul3A_12 : vector<256x768xf32>
    %add3A = arith.addf %mul3A_5, %mul3A_13 : vector<256x768xf32>
    %swap3A = arith.constant 0 : index
    %swap3A_14 = arith.constant 0 : index
    %swap3A_15 = vector.load %arg5[%swap3A, %swap3A_14] : memref<256x768xf32, #tpu.memory_space<vmem>>, vector<256x768xf32>
    tpu.vector_store %arg5[%swap3A, %swap3A_14], %add3A {strides = array<i32>} : memref<256x768xf32, #tpu.memory_space<vmem>>, vector<256x768xf32>,
    return
  }
  func.func @transform_0(%arg0: i32) -> (i32, i32) {
    %c0_i32 = arith.constant 0 : i32
    %c0_i32_0 = arith.constant 0 : i32
    return %arg0, %c0_i32 : i32, i32
  }
  func.func @transform_1(%arg0: i32) -> (i32, i32) {
    %c0_i32 = arith.constant 0 : i32
    %c0_i32_0 = arith.constant 0 : i32
    return %arg0, %c0_i32 : i32, i32
  }
  func.func @transform_2(%arg0: i32) -> (i32, i32) {
    %c0_i32 = arith.constant 0 : i32
    %c0_i32_0 = arith.constant 0 : i32
    return %arg0, %c0_i32 : i32, i32
  }
  func.func @transform_3(%arg0: i32) -> (i32, i32) {
    %c0_i32 = arith.constant 0 : i32
    %c0_i32_0 = arith.constant 0 : i32
    return %arg0, %c0_i32 : i32, i32
  }
  func.func @transform_4(%arg0: i32) -> (i32, i32) {
    %c0_i32 = arith.constant 0 : i32
    %c0_i32_0 = arith.constant 0 : i32
    return %arg0, %c0_i32 : i32, i32
  }
}

</mosaic_0001>

<sc_bundles>
// kernel: kernel.10.cloned.1.call-start
scs
__scs_entry_jumppad:
0x0: {  	(pc) =	sbr.rel $0x88, $3  }
0x1: {  	(tag) =	ssettag $0x0;
	lr =	simm.s32 $0x1  }
0x2: {  	[smem:$0x3F96] =	sst lr;
	_ =	strace $0xD0000000  }
0x3: {  	_ = 	snop  }
0x4: {  	_ = 	snop  }
0x5: {  	_ = 	snop  }
0x6: {  	_ = 	snop  }
0x7: {  	_ = 	snop  }
__scs_overlays_trampoline_lowered:
0x8: {  	[smem:$0x3FA5] =	sst s0  }
0x9: {  	[smem:$0x3FA6] =	sst s1  }
0xa: {  	[smem:$0x3FA7] =	sst s2  }
0xb: {  	[smem:$0x3FA8] =	sst s3  }
0xc: {  	[smem:$0x3FA9] =	sst s4  }
0xd: {  	[smem:$0x3FAA] =	sst s5  }
0xe: {  	[smem:$0x3FAB] =	sst s6  }
0xf: {  	[smem:$0x3FAC] =	sst s7  }
0x10: {  	[smem:$0x3FAD] =	sst s8  }
0x11: {  	[smem:$0x3FAE] =	sst s9;
	s0 =	simm.s32 @!p0 $0x0  }
0x12: {  	s1 =	sld [smem:$0x3F94];
	s0 =	simm.s32 @p0 $0x1  }
0x13: {  	[smem:$0x3FAF] =	sst s0;
	s0 =	simm.s32 @!p1 $0x0  }
0x14: {  	s2 =	sld [smem:$0x3F93];
	s0 =	simm.s32 @p1 $0x1  }
0x15: {  	[smem:$0x3FB0] =	sst s0;
	s0 =	simm.s32 @!p2 $0x0  }
0x16: {  	s3 =	sld [smem:$0x3FDB];
	s0 =	simm.s32 @p2 $0x1  }
0x17: {  	s4 =	simm.s32 $0x1BF5;
	[smem:$0x3FB2] =	sst s0  }
0x18: {  	s0 =	sld [smem:$0x3F95];
	_ =	swait.ge [sflag:s4], $0x0  }
0x19: {  	s7 =	sld [smem:$0x3F96]  }
0x1a: {  	s8 =	sadd.s32 $0xFFFFE003, lr  }
0x1b: {  	s9 =	sadd.s32 $0xFFFFFEF7, lr;
	s5 =	simm.s32 $0xFFFFFFFF;
	p2 =	slt.u32 s8, $0xFFFFF086  }
0x1c: {  	p1 =	slt.u32 s9, $0xF7A;
	s5 =	simm.s32 @!p2 $0x0  }
0x1d: {  	s5 =	simm.s32 @p1 $0x1;
	p0 =	seq.s32 s7, s2  }
0x1e: {  	s7 =	smul.u32 @!p0 $0xF7A, s2;
	p2 =	seq.s32 @!p0 s5, $0x0  }
0x1f: {  	s9 =	smul.u32 $0xF7A, s1;
	s8 =	simm.s32 @!p0 $0x1BF5;
	p2 =	por !p2, p0  }
0x20: {  	[sflag:s8] =	ssyncset.s32 @!p0 $0xFFFFF086;
	s6 =	sadd.s32 @!p0 s3, s7;
	s7 =	simm.s32 @!p0 $0x108  }
0x21: {  	s3 =	sadd.s32 s3, s9;
	s6 =	sadd.s32 @!p0 $0x88, s6;
	s7 =	simm.s32 @p2 $0x1082  }
0x22: {  	[simem:s7], [sflag:s8] =	dma.local @!p0 [hbm:s6], $0xF7A  }
0x23: {  	s9 =	sor.u32 $0xD0000000, s2;
	s6 =	simm.s32 $0x108;
	_ =	swait.ge @!p0 [sflag:s8], $0x0  }
0x24: {  	s3 =	sadd.s32 $0x88, s3;
	s6 =	simm.s32 @!p1 $0x1082;
	[sflag:s4] =	ssyncset.s32 $0xFFFFF086  }
0x25: {  	[simem:s6], [sflag:s4] =	dma.local [hbm:s3], $0xF7A  }
0x26: {  	[smem:$0x3F96] =	sst s1;
	(tag) =	ssettag s2;
	_ =	strace s9  }
0x27: {  	s1 =	sld [smem:$0x3FA6]  }
0x28: {  	s2 =	sld [smem:$0x3FA7]  }
0x29: {  	s4 =	sld [smem:$0x3FA9]  }
0x2a: {  	p0 =	seq.s32 s5, $0x0;
	s5 =	sld [smem:$0x3FAA]  }
0x2b: {  	s6 =	sld [smem:$0x3FAB]  }
0x2c: {  	s7 =	sld [smem:$0x3FAC]  }
0x2d: {  	s3 =	simm.s32 $0x108;
	s8 =	sld [smem:$0x3FAD]  }
0x2e: {  	s3 =	simm.s32 @!p0 $0x1082;
	s9 =	sld [smem:$0x3FAE]  }
0x2f: {  	lr =	sadd.s32 s0, s3;
	s0 =	sld [smem:$0x3FA5]  }
0x30: {  	s3 =	sld [smem:$0x3FA8]  }
0x31: {  	[smem:$0x3FB1] =	sst s10  }
0x32: {  	s10 =	sld [smem:$0x3FAF];
	_ =	sdelay $0x3  }
0x33: {  	p0 =	seq.s32 s10, $0x1;
	s10 =	sld [smem:$0x3FB1];
	_ =	sdelay $0x3  }
0x34: {  	[smem:$0x3FB1] =	sst s10  }
0x35: {  	s10 =	sld [smem:$0x3FB0];
	_ =	sdelay $0x3  }
0x36: {  	p1 =	seq.s32 s10, $0x1;
	s10 =	sld [smem:$0x3FB1];
	_ =	sdelay $0x3  }
0x37: {  	[smem:$0x3FB1] =	sst s10  }
0x38: {  	s10 =	sld [smem:$0x3FB2]  }
0x39: {  	_ = 	snop;
	(pc) =	sbr.ind lr, $3  }
0x3a: {  	_ = 	snop  }
0x3b: {  	_ = 	snop  }
0x3c: {  	p2 =	seq.s32 s10, $0x1;
	s10 =	sld [smem:$0x3FB1]  }
0x3d: {  	_ =	shalt  }
0x3e: {  	_ =	shalt  }
0x3f: {  	_ =	shalt  }
0x40: {  	_ =	shalt  }
0x41: {  	_ =	shalt  }
0x42: {  	_ =	shalt  }
0x43: {  	_ =	shalt  }
0x44: {  	_ =	shalt  }
0x45: {  	_ =	shalt  }
0x46: {  	_ =	shalt  }
0x47: {  	_ =	shalt  }
0x48: {  	_ =	shalt  }
0x49: {  	_ =	shalt  }
0x4a: {  	_ =	shalt  }
0x4b: {  	_ =	shalt  }
0x4c: {  	_ =	shalt  }
0x4d: {  	_ =	shalt  }
0x4e: {  	_ =	shalt  }
0x4f: {  	_ =	shalt  }
0x50: {  	_ =	shalt  }
0x51: {  	_ =	shalt  }
0x52: {  	_ =	shalt  }
0x53: {  	_ =	shalt  }
0x54: {  	_ =	shalt  }
0x55: {  	_ =	shalt  }
0x56: {  	_ =	shalt  }
0x57: {  	_ =	shalt  }
0x58: {  	_ =	shalt  }
0x59: {  	_ =	shalt  }
0x5a: {  	_ =	shalt  }
0x5b: {  	_ =	shalt  }
0x5c: {  	_ =	shalt  }
0x5d: {  	_ =	shalt  }
0x5e: {  	_ =	shalt  }
0x5f: {  	_ =	shalt  }
0x60: {  	_ =	shalt  }
0x61: {  	_ =	shalt  }
0x62: {  	_ =	shalt  }
0x63: {  	_ =	shalt  }
0x64: {  	_ =	shalt  }
0x65: {  	_ =	shalt  }
0x66: {  	_ =	shalt  }
0x67: {  	_ =	shalt  }
0x68: {  	_ =	shalt  }
0x69: {  	_ =	shalt  }
0x6a: {  	_ =	shalt  }
0x6b: {  	_ =	shalt  }
0x6c: {  	_ =	shalt  }
0x6d: {  	_ =	shalt  }
0x6e: {  	_ =	shalt  }
0x6f: {  	_ =	shalt  }
0x70: {  	_ =	shalt  }
0x71: {  	_ =	shalt  }
0x72: {  	_ =	shalt  }
0x73: {  	_ =	shalt  }
0x74: {  	_ =	shalt  }
0x75: {  	_ =	shalt  }
0x76: {  	_ =	shalt  }
0x77: {  	_ =	shalt  }
0x78: {  	_ =	shalt  }
0x79: {  	_ =	shalt  }
0x7a: {  	_ =	shalt  }
0x7b: {  	_ =	shalt  }
0x7c: {  	_ =	shalt  }
0x7d: {  	_ =	shalt  }
0x7e: {  	_ =	shalt  }
0x7f: {  	_ =	shalt  }
0x80: {  	_ =	shalt  }
0x81: {  	_ =	shalt  }
0x82: {  	_ =	shalt  }
0x83: {  	_ =	shalt  }
0x84: {  	_ =	shalt  }
0x85: {  	_ =	shalt  }
0x86: {  	_ =	shalt  }
0x87: {  	_ =	shalt  }
.Lfunc_end0:
.L_simem_size_0:
called_computation.1_lowered:
.L_overlay_start_0:
0x88: {  	s2 =	sld [smem:$0x3FD9]  }
0x89: {  	s3 =	sld [smem:$0x3FFE];
	_ =	sdelay $0x1  }
0x8a: {  	s1 =	srdreg.scid  }
0x8b: {  	s0 =	sand.u32 $0x1, s1  }
0x8c: {  	s14 =	sshll.u32 s0, $0xA;
	s2 =	sadd.s32 s3, s2  }
0x8d: {  	s2 =	sadd.s32 s2, s14  }
0x8e: {  	[smem:$0x3FBD] =	sst s2  }
0x8f: {  	_ = 	snop  }
0x90: {  	s2 =	sld [smem:$0x3FD0];
	_ =	sdelay $0x2  }
0x91: {  	s15 =	simm.s32 $0xA;
	s4 =	simm.s32 $0x10  }
0x92: {  	[smem:s4], [sflag:s15] =	dma.local [hbm:s2], $0x1  }
0x93: {  	_ =	swait.eq [sflag:s15], $0x1  }
0x94: {  	[sflag:s15] =	ssyncset.done $0x0  }
0x95: {  	[sflag:s15] =	ssyncadd.s32 $0xFFFFFFFF  }
0x96: {  	s16 =	sld [smem:$0x10];
	(tm) =	ssettm $0x1  }
0x97: {  	s17 =	sld [smem:$0x3FFB];
	_ =	sdelay $0x3  }
0x98: {  	_ =	strace s17  }
0x99: {  	s3 =	sld [smem:$0x3FFC];
	_ =	sdelay $0x3  }
0x9a: {  	_ =	strace s3  }
0x9b: {  	s3 =	sld [smem:$0x3FFD];
	_ =	sdelay $0x3  }
0x9c: {  	_ =	strace s3  }
0x9d: {  	_ =	strace $0x8FFFFFFF  }
0x9e: {  	s18 =	sld [smem:$0x3FDB];
	_ =	sdelay $0x1  }
0x9f: {  	s19 =	simm.s32 $_scs_section_size  }
0xa0: {  	s5 =	simm.s32 $_size__tile_overlayer_lowered;
	s6 =	simm.s32 $_tile_overlayer_lowered  }
0xa1: {  	s22 =	simm.s32 $0x1BFF;
	s21 =	sshll.u32 s6, $0x1;
	s3 =	sadd.s32 s19, s18  }
0xa2: {  	s7 =	simm.s32 $0x0;
	s20 =	sshll.u32 s5, $0x1;
	s5 =	sadd.s32 s21, s3  }
0xa3: {  	[timem:s7], [sflag:s22] =	dma.local [hbm:s5], s20  }
0xa4: {  	_ =	swait.ge [sflag:s22], s20  }
0xa5: {  	s4 =	ssub.s32 $0x0, s20;
	[sflag:s22] =	ssyncset.done $0x0  }
0xa6: {  	[sflag:s22] =	ssyncadd.s32 s4;
	_ =	sdelay $0x1  }
0xa7: {  	s23 =	simm.s32 $0x1B8B  }
0xa8: {  	_ =	swait.ge [sflag:s23], $0x1  }
0xa9: {  	[sflag:s23] =	ssyncset.done $0x0  }
0xaa: {  	s25 =	simm.s32 $0x1B8E;
	s24 =	sld [smem:$0x3FFE];
	[sflag:s23] =	ssyncadd.s32 $0xFFFFFFFF  }
0xab: {  	s26 =	simm.s32 $execute0_lowered;
	[smem:$0x3FD2] =	sst s25  }
0xac: {  	s5 =	sshll.u32 s26, $0x1;
	_ =	strace $0x80000049;
	[dreg:$0x1] =	wrdreg $0xFFFFFFFF  }
0xad: {  	s28 =	simm.s32 $_size_execute0_lowered;
	s3 =	sadd.s32 s3, s5;
	[dreg:$0x0] =	wrdreg $0x0  }
0xae: {  	s5 =	sshll.u32 s28, $0x1;
	[dreg:$0x2] =	wrdreg s3  }
0xaf: {  	[dreg:$0x3] =	wrdreg s5  }
0xb0: {  	[dreg:$0x4] =	wrdreg $0xC0  }
0xb1: {  	_ =	task [dreg:s7], $0x5FFFF  }
0xb2: {  	[dreg:$0x1] =	wrdreg $0xFFFFFFFF  }
0xb3: {  	[dreg:$0x0] =	wrdreg $0x60  }
0xb4: {  	[dreg:$0x2] =	wrdreg s24  }
0xb5: {  	[dreg:$0x3] =	wrdreg s16  }
0xb6: {  	[dreg:$0x4] =	wrdreg $0x9  }
0xb7: {  	_ =	task.clear_ibuf [dreg:s7], $0x5FFFF;
	_ =	strace $0x90000049  }
0xb8: {  	s29 =	simm.s32 $0x9;
	_ =	strace $0x8000004B  }
0xb9: {  	_ =	swait.ge [sflag:s29], $0x1  }
0xba: {  	[sflag:s29] =	ssyncadd.s32 $0xFFFFFFFF  }
0xbb: {  	_ =	strace $0x9000004B  }
0xbc: {  	_ =	sfence  }
0xbd: {  	s30 =	sld [smem:$0x0];
	_ =	sdelay $0x2  }
0xbe: {  	s31 =	sshll.u32 s1, $0xD;
	s1 =	sshrl.u32 s1, $0x2  }
0xbf: {  	s3 =	sand.u32 $0x4000, s31;
	s1 =	sadd.s32 s1, s30  }
0xc0: {  	s0 =	sor.u32 s3, s0;
	s1 =	sshll.u32 s1, $0x11  }
0xc1: {  	s0 =	sor.u32 s1, s0  }
0xc2: {  	s0 =	sadd.s32 $0x8F2B, s0  }
0xc3: {  	[sflag:s0] =	ssyncadd.remote.s32 $0x1  }
0xc4: {  	_ =	sfence.sel $0xFFFF  }
0xc5: {  	[dreg:$0x0] =	wrdreg $0xFFFFFFFF;
	(pc) =	sbr.abs _section_cstart, $3  }
0xc6: {  	[dreg:$0x1] =	wrdreg $0xFFFFFFFF  }
0xc7: {  	_ =	task.clear_ibuf [dreg:s7], $0x2FFFF;
	_ =	strace $0x9FFFFFFF  }
0xc8: {  	(tm) =	ssettm $0x7FFFFFFF  }
0xc9: {  	_ =	shalt  }
tec
execute0_lowered:
.L_overlay_start_1:
0x0: {  	(tag) =	ssettag $0x1  }
0x1: {  	s2 =	srdreg.scid;
	s1 =	rddreg [dreg:$0x0]  }
0x2: {  	s3 =	rddreg [dreg:$0x1];
	s4 =	sand.u32 $0x1, s2;
	s2 =	simm.s32 $0x0  }
0x3: {  	s23 =	simm.s32 $0x80;
	[smem:$0x7FF] =	sst s2  }
0x4: {  	s24 =	simm.s32 $0x900;
	_ =	strace $0x8000004A;
	[dreg:$0x7] =	wrdreg s23  }
0x5: {  	s25 =	simm.s32 $0x1100;
	[dreg:$0x8] =	wrdreg s24  }
0x6: {  	s0 =	stileid.u32;
	s26 =	simm.s32 $0x1900;
	[dreg:$0x9] =	wrdreg s25  }
0x7: {  	s5 =	sshll.u32 s0, $0x4;
	s0 =	simm.s32 $0x2100;
	[dreg:$0xa] =	wrdreg s26  }
0x8: {  	s8 =	simm.s32 $0x4100;
	[dreg:$0xb] =	wrdreg s0  }
0x9: {  	s9 =	simm.s32 $0x4900;
	[dreg:$0xf] =	wrdreg s8  }
0xa: {  	s10 =	simm.s32 $0x5100;
	[dreg:$0x10] =	wrdreg s9  }
0xb: {  	s11 =	simm.s32 $0x5900;
	[dreg:$0x11] =	wrdreg s10  }
0xc: {  	s12 =	simm.s32 $0x6100;
	[dreg:$0x12] =	wrdreg s11  }
0xd: {  	s13 =	simm.s32 $0x6900;
	[dreg:$0x13] =	wrdreg s12  }
0xe: {  	s14 =	simm.s32 $0x7100;
	s15 =	simm.s32 $0x7900;
	[dreg:$0x14] =	wrdreg s13  }
0xf: {  	s16 =	simm.s32 $0x8100;
	s17 =	simm.s32 $0x8900;
	[dreg:$0x15] =	wrdreg s14  }
0x10: {  	s18 =	simm.s32 $0x9100;
	s20 =	simm.s32 $0x9900;
	[dreg:$0x16] =	wrdreg s15  }
0x11: {  	s28 =	simm.s32 $0x16100;
	s29 =	simm.s32 $0x16900;
	[dreg:$0x17] =	wrdreg s16  }
0x12: {  	s30 =	simm.s32 $0x17100;
	s31 =	simm.s32 $0x17900;
	[dreg:$0x18] =	wrdreg s17  }
0x13: {  	s6 =	sshll.u32 s4, $0x3;
	s4 =	ssub.s32 $0x2, s4;
	[dreg:$0x19] =	wrdreg s18  }
0x14: {  	s5 =	sor.u32 s6, s5;
	s19 =	sshrl.u32 s4, $0x1;
	[dreg:$0x1a] =	wrdreg s20  }
0x15: {  	s23 =	simm.s32 $0xB100;
	s24 =	simm.s32 $0xB900;
	s25 =	simm.s32 $0xC900  }
0x16: {  	s8 =	simm.s32 $0x100;
	s26 =	simm.s32 $0xD100;
	s9 =	simm.s32 $0xC100  }
0x17: {  	s11 =	simm.s32 $0xE100;
	s12 =	simm.s32 $0xE900;
	s13 =	simm.s32 $0xF100  }
0x18: {  	s14 =	simm.s32 $0xF900;
	s15 =	simm.s32 $0x10100;
	[dreg:$0x1d] =	wrdreg s23  }
0x19: {  	s16 =	simm.s32 $0x10900;
	s17 =	simm.s32 $0x11100;
	[dreg:$0x1e] =	wrdreg s24  }
0x1a: {  	s18 =	simm.s32 $0x11900;
	s6 =	sadd.s32 s5, s1;
	[dreg:$0x1f] =	wrdreg s25  }
0x1b: {  	s5 =	smul.u32 $0x300, s5;
	[smem:$0x7FD] =	sst s26;
	s7 =	sadd.s32 $0x10E00, s6  }
0x1c: {  	s20 =	simm.s32 $0x12900;
	s6 =	sadd.s32 $0x11000, s6;
	[dreg:$0x3] =	wrdreg s7  }
0x1d: {  	s23 =	simm.s32 $0x14100;
	[dreg:$0x4] =	wrdreg s6;
	s3 =	sadd.s32 s3, s5  }
0x1e: {  	s21 =	sadd.s32 s5, s1;
	s5 =	simm.s32 $0x2900;
	[dreg:$0x5] =	wrdreg s3  }
0x1f: {  	s24 =	simm.s32 $0x14900;
	s6 =	simm.s32 $0x3100;
	[dreg:$0xc] =	wrdreg s5  }
0x20: {  	s25 =	simm.s32 $0x15100;
	s7 =	simm.s32 $0x3900;
	[dreg:$0xd] =	wrdreg s6  }
0x21: {  	s26 =	simm.s32 $0x15900;
	s22 =	sadd.s32 $0x11200, s21;
	[dreg:$0xe] =	wrdreg s7  }
0x22: {  	s3 =	sadd.s32 $0x131200, s1;
	s6 =	ssub.s32 s4, s19;
	s21 =	simm.s32 $0xA100  }
0x23: {  	s4 =	sadd.s32 $0x131300, s1;
	s5 =	sadd.s32 $0x131400, s1;
	s7 =	simm.s32 $0x2  }
0x24: {  	v2 =	vlaneseq.u32;
	s19 =	simm.s32 $0x12100;
	s1 =	simm.s32 $0x1;
	[dreg:$0x6] =	wrdreg s22  }
0x25: {  	vm0 =	vmmov $0xffff;
	v1 =	vshrl.u32 v2, $0x3;
	[dreg:$0x1b] =	wrdreg s21;
	s22 =	simm.s32 $0xA900;
	s6 =	smax.u32 s6, $0x1  }
0x26: {  	v0 =	vand.u32 $0x7, v2;
	v2 =	vor.u32 $0x8, v2;
	v1 =	vmul.u32 $0x8, v1;
	s21 =	simm.s32 $0x13100;
	[dreg:$0x1c] =	wrdreg s22;
	s22 =	simm.s32 $0x13900  }
.LBB2_1:
0x27: {  	s0 =	rddreg [dreg:$0x3]  }
0x28: {  	[tilespmem:s2], [sflag:$0x2] =	stream.linear.gather [hbm4b:s0+s2], $0x40, $0x38;
	[tilespmem:$0x18100] =	vst v63  }
0x29: {  	_ =	swait.ge [sflag:s7], $0x40  }
0x2a: {  	s0 =	rddreg [dreg:$0x4];
	[sflag:s7] =	ssyncset.done $0x0  }
0x2b: {  	s10 =	rddreg [dreg:$0x7];
	[sflag:s7] =	ssyncadd.s32 $0xFFFFFFC0  }
0x2c: {  	[tilespmem:s10], [sflag:$0x2] =	stream.linear.gather [hbm4b:s0+s2], $0x40, $0x38;
	[tilespmem:$0x18100] =	vst v63  }
0x2d: {  	_ =	swait.ge [sflag:s7], $0x40  }
0x2e: {  	[sflag:s7] =	ssyncset.done $0x0  }
0x2f: {  	[sflag:s7] =	ssyncadd.s32 $0xFFFFFFC0  }
0x30: {  	v3 =	vld [tilespmem:$0x0];
	_ =	sdelay $0x4  }
0x31: {  	v4 =	vshrl.u32 v3, $0x3  }
0x32: {  	v4 =	vmul.u32 $0x30, v4  }
0x33: {  	v3 =	vand.u32 $0x7, v3  }
0x34: {  	v3 =	vor.u32 v3, v4  }
0x35: {  	v4 =	vperm.xlane v3, v0;
	_ =	sdelay $0x1  }
0x36: {  	v4 =	vadd.s32 v1, v4;
	_ =	sdelay $0x3  }
0x37: {  	v3 =	vperm.xlane v3, v2  }
0x38: {  	[tilespmem:s8], [sflag:$0x1] =	stream.indirect_vreg.gather [hbm4b:s3+s2], $0x80, v4, vm0, $0xb8;
	[tilespmem:$0x18100] =	vst v63  }
0x39: {  	s0 =	rddreg [dreg:$0x8];
	v3 =	vadd.s32 v1, v3  }
0x3a: {  	[tilespmem:s0], [sflag:$0x1] =	stream.indirect_vreg.gather [hbm4b:s4+s2], $0x80, v4, vm0, $0xb8;
	[tilespmem:$0x18100] =	vst v63  }
0x3b: {  	s10 =	rddreg [dreg:$0x9]  }
0x3c: {  	[tilespmem:s10], [sflag:$0x1] =	stream.indirect_vreg.gather [hbm4b:s5+s2], $0x80, v4, vm0, $0xb8;
	[tilespmem:$0x18100] =	vst v63  }
0x3d: {  	s0 =	rddreg [dreg:$0xa]  }
0x3e: {  	[tilespmem:s0], [sflag:$0x1] =	stream.indirect_vreg.gather [hbm4b:s3+s2], $0x80, v3, vm0, $0xb8;
	[tilespmem:$0x18100] =	vst v63  }
0x3f: {  	s10 =	rddreg [dreg:$0xb]  }
0x40: {  	[tilespmem:s10], [sflag:$0x1] =	stream.indirect_vreg.gather [hbm4b:s4+s2], $0x80, v3, vm0, $0xb8;
	[tilespmem:$0x18100] =	vst v63  }
0x41: {  	s0 =	rddreg [dreg:$0xc]  }
0x42: {  	[tilespmem:s0], [sflag:$0x1] =	stream.indirect_vreg.gather [hbm4b:s5+s2], $0x80, v3, vm0, $0xb8;
	[tilespmem:$0x18100] =	vst v63  }
0x43: {  	v3 =	vld [tilespmem:$0x10];
	_ =	sdelay $0x4  }
0x44: {  	v57 =	vshrl.u32 v3, $0x3  }
0x45: {  	v4 =	vmul.u32 $0x30, v57  }
0x46: {  	v3 =	vand.u32 $0x7, v3  }
0x47: {  	v3 =	vor.u32 v3, v4  }
0x48: {  	v4 =	vperm.xlane v3, v0;
	_ =	sdelay $0x1  }
0x49: {  	v4 =	vadd.s32 v1, v4;
	_ =	sdelay $0x3  }
0x4a: {  	s0 =	rddreg [dreg:$0xd];
	v3 =	vperm.xlane v3, v2  }
0x4b: {  	[tilespmem:s0], [sflag:$0x1] =	stream.indirect_vreg.gather [hbm4b:s3+s2], $0x80, v4, vm0, $0xb8;
	[tilespmem:$0x18100] =	vst v63  }
0x4c: {  	s10 =	rddreg [dreg:$0xe];
	v3 =	vadd.s32 v1, v3  }
0x4d: {  	[tilespmem:s10], [sflag:$0x1] =	stream.indirect_vreg.gather [hbm4b:s4+s2], $0x80, v4, vm0, $0xb8;
	[tilespmem:$0x18100] =	vst v63  }
0x4e: {  	s0 =	rddreg [dreg:$0xf]  }
0x4f: {  	[tilespmem:s0], [sflag:$0x1] =	stream.indirect_vreg.gather [hbm4b:s5+s2], $0x80, v4, vm0, $0xb8;
	[tilespmem:$0x18100] =	vst v63  }
0x50: {  	s10 =	rddreg [dreg:$0x10]  }
0x51: {  	[tilespmem:s10], [sflag:$0x1] =	stream.indirect_vreg.gather [hbm4b:s3+s2], $0x80, v3, vm0, $0xb8;
	[tilespmem:$0x18100] =	vst v63  }
0x52: {  	s0 =	rddreg [dreg:$0x11]  }
0x53: {  	[tilespmem:s0], [sflag:$0x1] =	stream.indirect_vreg.gather [hbm4b:s4+s2], $0x80, v3, vm0, $0xb8;
	[tilespmem:$0x18100] =	vst v63  }
0x54: {  	s10 =	rddreg [dreg:$0x12]  }
0x55: {  	[tilespmem:s10], [sflag:$0x1] =	stream.indirect_vreg.gather [hbm4b:s5+s2], $0x80, v3, vm0, $0xb8;
	[tilespmem:$0x18100] =	vst v63  }
0x56: {  	v3 =	vld [tilespmem:$0x20];
	_ =	sdelay $0x4  }
0x57: {  	v58 =	vshrl.u32 v3, $0x3  }
0x58: {  	v4 =	vmul.u32 $0x30, v58  }
0x59: {  	v3 =	vand.u32 $0x7, v3  }
0x5a: {  	v3 =	vor.u32 v3, v4  }
0x5b: {  	v4 =	vperm.xlane v3, v0;
	_ =	sdelay $0x1  }
0x5c: {  	v4 =	vadd.s32 v1, v4;
	_ =	sdelay $0x3  }
0x5d: {  	s0 =	rddreg [dreg:$0x13];
	v3 =	vperm.xlane v3, v2  }
0x5e: {  	[tilespmem:s0], [sflag:$0x1] =	stream.indirect_vreg.gather [hbm4b:s3+s2], $0x80, v4, vm0, $0xb8;
	[tilespmem:$0x18100] =	vst v63  }
0x5f: {  	s10 =	rddreg [dreg:$0x14];
	v3 =	vadd.s32 v1, v3  }
0x60: {  	[tilespmem:s10], [sflag:$0x1] =	stream.indirect_vreg.gather [hbm4b:s4+s2], $0x80, v4, vm0, $0xb8;
	[tilespmem:$0x18100] =	vst v63  }
0x61: {  	s0 =	rddreg [dreg:$0x15]  }
0x62: {  	[tilespmem:s0], [sflag:$0x1] =	stream.indirect_vreg.gather [hbm4b:s5+s2], $0x80, v4, vm0, $0xb8;
	[tilespmem:$0x18100] =	vst v63  }
0x63: {  	s10 =	rddreg [dreg:$0x16]  }
0x64: {  	[tilespmem:s10], [sflag:$0x1] =	stream.indirect_vreg.gather [hbm4b:s3+s2], $0x80, v3, vm0, $0xb8;
	[tilespmem:$0x18100] =	vst v63  }
0x65: {  	s0 =	rddreg [dreg:$0x17]  }
0x66: {  	[tilespmem:s0], [sflag:$0x1] =	stream.indirect_vreg.gather [hbm4b:s4+s2], $0x80, v3, vm0, $0xb8;
	[tilespmem:$0x18100] =	vst v63  }
0x67: {  	s10 =	rddreg [dreg:$0x18]  }
0x68: {  	[tilespmem:s10], [sflag:$0x1] =	stream.indirect_vreg.gather [hbm4b:s5+s2], $0x80, v3, vm0, $0xb8;
	[tilespmem:$0x18100] =	vst v63  }
0x69: {  	v3 =	vld [tilespmem:$0x30];
	_ =	sdelay $0x4  }
0x6a: {  	v59 =	vshrl.u32 v3, $0x3  }
0x6b: {  	v4 =	vmul.u32 $0x30, v59  }
0x6c: {  	v3 =	vand.u32 $0x7, v3  }
0x6d: {  	v3 =	vor.u32 v3, v4  }
0x6e: {  	v4 =	vperm.xlane v3, v0;
	_ =	sdelay $0x1  }
0x6f: {  	v4 =	vadd.s32 v1, v4;
	_ =	sdelay $0x3  }
0x70: {  	s0 =	rddreg [dreg:$0x19];
	v3 =	vperm.xlane v3, v2  }
0x71: {  	[tilespmem:s0], [sflag:$0x1] =	stream.indirect_vreg.gather [hbm4b:s3+s2], $0x80, v4, vm0, $0xb8;
	[tilespmem:$0x18100] =	vst v63  }
0x72: {  	s10 =	rddreg [dreg:$0x1a];
	v3 =	vadd.s32 v1, v3  }
0x73: {  	[tilespmem:s10], [sflag:$0x1] =	stream.indirect_vreg.gather [hbm4b:s4+s2], $0x80, v4, vm0, $0xb8;
	[tilespmem:$0x18100] =	vst v63  }
0x74: {  	s0 =	rddreg [dreg:$0x1b]  }
0x75: {  	[tilespmem:s0], [sflag:$0x1] =	stream.indirect_vreg.gather [hbm4b:s5+s2], $0x80, v4, vm0, $0xb8;
	[tilespmem:$0x18100] =	vst v63  }
0x76: {  	s10 =	rddreg [dreg:$0x1c]  }
0x77: {  	[tilespmem:s10], [sflag:$0x1] =	stream.indirect_vreg.gather [hbm4b:s3+s2], $0x80, v3, vm0, $0xb8;
	[tilespmem:$0x18100] =	vst v63  }
0x78: {  	s0 =	rddreg [dreg:$0x1d]  }
0x79: {  	[tilespmem:s0], [sflag:$0x1] =	stream.indirect_vreg.gather [hbm4b:s4+s2], $0x80, v3, vm0, $0xb8;
	[tilespmem:$0x18100] =	vst v63  }
0x7a: {  	s10 =	rddreg [dreg:$0x1e]  }
0x7b: {  	[tilespmem:s10], [sflag:$0x1] =	stream.indirect_vreg.gather [hbm4b:s5+s2], $0x80, v3, vm0, $0xb8;
	[tilespmem:$0x18100] =	vst v63  }
0x7c: {  	v3 =	vld [tilespmem:$0x80];
	_ =	sdelay $0x4  }
0x7d: {  	v60 =	vshrl.u32 v3, $0x3  }
0x7e: {  	v4 =	vmul.u32 $0x30, v60  }
0x7f: {  	v3 =	vand.u32 $0x7, v3  }
0x80: {  	v3 =	vor.u32 v3, v4  }
0x81: {  	v4 =	vperm.xlane v3, v0;
	_ =	sdelay $0x1  }
0x82: {  	v4 =	vadd.s32 v1, v4;
	_ =	sdelay $0x3  }
0x83: {  	s0 =	rddreg [dreg:$0x1f];
	v3 =	vperm.xlane v3, v2  }
0x84: {  	[tilespmem:s9], [sflag:$0x1] =	stream.indirect_vreg.gather [hbm4b:s3+s2], $0x80, v4, vm0, $0xb8;
	[tilespmem:$0x18100] =	vst v63  }
0x85: {  	s10 =	sld [smem:$0x7FD];
	v3 =	vadd.s32 v1, v3  }
0x86: {  	[tilespmem:s0], [sflag:$0x1] =	stream.indirect_vreg.gather [hbm4b:s4+s2], $0x80, v4, vm0, $0xb8;
	[tilespmem:$0x18100] =	vst v63  }
0x87: {  	_ = 	snop  }
0x88: {  	[tilespmem:s10], [sflag:$0x1] =	stream.indirect_vreg.gather [hbm4b:s5+s2], $0x80, v4, vm0, $0xb8;
	[tilespmem:$0x18100] =	vst v63  }
0x89: {  	s10 =	simm.s32 $0xD900  }
0x8a: {  	[tilespmem:s10], [sflag:$0x1] =	stream.indirect_vreg.gather [hbm4b:s3+s2], $0x80, v3, vm0, $0xb8;
	[tilespmem:$0x18100] =	vst v63  }
0x8b: {  	_ = 	snop  }
0x8c: {  	[tilespmem:s11], [sflag:$0x1] =	stream.indirect_vreg.gather [hbm4b:s4+s2], $0x80, v3, vm0, $0xb8;
	[tilespmem:$0x18100] =	vst v63  }
0x8d: {  	_ = 	snop  }
0x8e: {  	[tilespmem:s12], [sflag:$0x1] =	stream.indirect_vreg.gather [hbm4b:s5+s2], $0x80, v3, vm0, $0xb8;
	[tilespmem:$0x18100] =	vst v63  }
0x8f: {  	v3 =	vld [tilespmem:$0x90];
	_ =	sdelay $0x4  }
0x90: {  	v61 =	vshrl.u32 v3, $0x3  }
0x91: {  	v4 =	vmul.u32 $0x30, v61  }
0x92: {  	v3 =	vand.u32 $0x7, v3  }
0x93: {  	v3 =	vor.u32 v3, v4  }
0x94: {  	v4 =	vperm.xlane v3, v0;
	_ =	sdelay $0x1  }
0x95: {  	v4 =	vadd.s32 v1, v4;
	_ =	sdelay $0x3  }
0x96: {  	v3 =	vperm.xlane v3, v2  }
0x97: {  	[tilespmem:s13], [sflag:$0x1] =	stream.indirect_vreg.gather [hbm4b:s3+s2], $0x80, v4, vm0, $0xb8;
	[tilespmem:$0x18100] =	vst v63  }
0x98: {  	v3 =	vadd.s32 v1, v3  }
0x99: {  	[tilespmem:s14], [sflag:$0x1] =	stream.indirect_vreg.gather [hbm4b:s4+s2], $0x80, v4, vm0, $0xb8;
	[tilespmem:$0x18100] =	vst v63  }
0x9a: {  	_ = 	snop  }
0x9b: {  	[tilespmem:s15], [sflag:$0x1] =	stream.indirect_vreg.gather [hbm4b:s5+s2], $0x80, v4, vm0, $0xb8;
	[tilespmem:$0x18100] =	vst v63  }
0x9c: {  	_ = 	snop  }
0x9d: {  	[tilespmem:s16], [sflag:$0x1] =	stream.indirect_vreg.gather [hbm4b:s3+s2], $0x80, v3, vm0, $0xb8;
	[tilespmem:$0x18100] =	vst v63  }
0x9e: {  	_ = 	snop  }
0x9f: {  	[tilespmem:s17], [sflag:$0x1] =	stream.indirect_vreg.gather [hbm4b:s4+s2], $0x80, v3, vm0, $0xb8;
	[tilespmem:$0x18100] =	vst v63  }
0xa0: {  	_ = 	snop  }
0xa1: {  	[tilespmem:s18], [sflag:$0x1] =	stream.indirect_vreg.gather [hbm4b:s5+s2], $0x80, v3, vm0, $0xb8;
	[tilespmem:$0x18100] =	vst v63  }
0xa2: {  	v3 =	vld [tilespmem:$0xA0];
	_ =	sdelay $0x4  }
0xa3: {  	v62 =	vshrl.u32 v3, $0x3  }
0xa4: {  	v4 =	vmul.u32 $0x30, v62  }
0xa5: {  	v3 =	vand.u32 $0x7, v3  }
0xa6: {  	v3 =	vor.u32 v3, v4  }
0xa7: {  	v4 =	vperm.xlane v3, v0;
	_ =	sdelay $0x1  }
0xa8: {  	v4 =	vadd.s32 v1, v4;
	_ =	sdelay $0x3  }
0xa9: {  	v3 =	vperm.xlane v3, v2  }
0xaa: {  	[tilespmem:s19], [sflag:$0x1] =	stream.indirect_vreg.gather [hbm4b:s3+s2], $0x80, v4, vm0, $0xb8;
	[tilespmem:$0x18100] =	vst v63  }
0xab: {  	v3 =	vadd.s32 v1, v3  }
0xac: {  	[tilespmem:s20], [sflag:$0x1] =	stream.indirect_vreg.gather [hbm4b:s4+s2], $0x80, v4, vm0, $0xb8;
	[tilespmem:$0x18100] =	vst v63  }
0xad: {  	_ = 	snop  }
0xae: {  	[tilespmem:s21], [sflag:$0x1] =	stream.indirect_vreg.gather [hbm4b:s5+s2], $0x80, v4, vm0, $0xb8;
	[tilespmem:$0x18100] =	vst v63  }
0xaf: {  	_ = 	snop  }
0xb0: {  	[tilespmem:s22], [sflag:$0x1] =	stream.indirect_vreg.gather [hbm4b:s3+s2], $0x80, v3, vm0, $0xb8;
	[tilespmem:$0x18100] =	vst v63  }
0xb1: {  	_ = 	snop  }
0xb2: {  	[tilespmem:s23], [sflag:$0x1] =	stream.indirect_vreg.gather [hbm4b:s4+s2], $0x80, v3, vm0, $0xb8;
	[tilespmem:$0x18100] =	vst v63  }
0xb3: {  	_ = 	snop  }
0xb4: {  	[tilespmem:s24], [sflag:$0x1] =	stream.indirect_vreg.gather [hbm4b:s5+s2], $0x80, v3, vm0, $0xb8;
	[tilespmem:$0x18100] =	vst v63  }
0xb5: {  	v3 =	vld [tilespmem:$0xB0];
	_ =	sdelay $0x4  }
0xb6: {  	v63 =	vshrl.u32 v3, $0x3  }
0xb7: {  	v4 =	vmul.u32 $0x30, v63  }
0xb8: {  	v3 =	vand.u32 $0x7, v3  }
0xb9: {  	v3 =	vor.u32 v3, v4  }
0xba: {  	v4 =	vperm.xlane v3, v0;
	_ =	sdelay $0x1  }
0xbb: {  	v4 =	vadd.s32 v1, v4;
	_ =	sdelay $0x3  }
0xbc: {  	v3 =	vperm.xlane v3, v2  }
0xbd: {  	[tilespmem:s25], [sflag:$0x1] =	stream.indirect_vreg.gather [hbm4b:s3+s2], $0x80, v4, vm0, $0xb8;
	[tilespmem:$0x18100] =	vst v63  }
0xbe: {  	v3 =	vadd.s32 v1, v3  }
0xbf: {  	[tilespmem:s26], [sflag:$0x1] =	stream.indirect_vreg.gather [hbm4b:s4+s2], $0x80, v4, vm0, $0xb8;
	[tilespmem:$0x18100] =	vst v63  }
0xc0: {  	_ = 	snop  }
0xc1: {  	[tilespmem:s28], [sflag:$0x1] =	stream.indirect_vreg.gather [hbm4b:s5+s2], $0x80, v4, vm0, $0xb8;
	[tilespmem:$0x18100] =	vst v63  }
0xc2: {  	_ = 	snop  }
0xc3: {  	[tilespmem:s29], [sflag:$0x1] =	stream.indirect_vreg.gather [hbm4b:s3+s2], $0x80, v3, vm0, $0xb8;
	[tilespmem:$0x18100] =	vst v63  }
0xc4: {  	_ = 	snop  }
0xc5: {  	[tilespmem:s30], [sflag:$0x1] =	stream.indirect_vreg.gather [hbm4b:s4+s2], $0x80, v3, vm0, $0xb8;
	[tilespmem:$0x18100] =	vst v63  }
0xc6: {  	_ = 	snop  }
0xc7: {  	[tilespmem:s31], [sflag:$0x1] =	stream.indirect_vreg.gather [hbm4b:s5+s2], $0x80, v3, vm0, $0xb8;
	[tilespmem:$0x18100] =	vst v63  }
0xc8: {  	_ =	swait.ge [sflag:s1], $0xC000  }
0xc9: {  	[sflag:s1] =	ssyncset.done $0x0  }
0xca: {  	[sflag:s1] =	ssyncadd.s32 $0xFFFF4000  }
0xcb: {  	_ =	swait.ge [sflag:s1], $0xC000  }
0xcc: {  	[sflag:s1] =	ssyncset.done $0x0  }
0xcd: {  	s10 =	rddreg [dreg:$0x5];
	[sflag:s1] =	ssyncadd.s32 $0xFFFF4000  }
0xce: {  	[hbm4b:s10+s2] =	stream.linear.scatter [tilespmem:s8], [sflag:$0x2], $0xC000, $0x38;
	[tilespmem:$0x18100] =	vst v63  }
0xcf: {  	_ =	swait.ge [sflag:s7], $0xC000  }
0xd0: {  	p0 =	sne.s32 s6, $0x1;
	[sflag:s7] =	ssyncset.done $0x0  }
.Ltmp0:
0xd1: {  	s10 =	rddreg [dreg:$0x6];
	[sflag:s7] =	ssyncadd.s32 $0xFFFF4000;
	(pc) =	sbr.rel @p0 .LBB2_1-.Ltmp0, $4  }
0xd2: {  	[hbm4b:s10+s2] =	stream.linear.scatter [tilespmem:s9], [sflag:$0x2], $0xC000, $0x38;
	[tilespmem:$0x18100] =	vst v63  }
0xd3: {  	_ =	swait.ge [sflag:s7], $0xC000  }
0xd4: {  	[sflag:s7] =	ssyncset.done $0x0  }
0xd5: {  	s6 =	sadd.s32 $0xFFFFFFFF, s6;
	[sflag:s7] =	ssyncadd.s32 $0xFFFF4000  }
0xd6: {  	_ =	sfence.sel $0x180000  }
0xd7: {  	[bflag:$0x0] =	sbarrier.arrive $0xFFFF  }
0xd8: {  	_ =	strace $0x9000004A  }
0xd9: {  	s0 =	stileid.u32;
	[bflag:$0x2] =	sbarrier.arrive $0xFFFF  }
0xda: {  	p0 =	sne.s32 s0, $0x0;
	s0 =	rddreg [dreg:$0x2]  }
0xdb: {  	s0 =	sadd.s32 @!p0 $0x100000, s0  }
0xdc: {  	[sflag:s0] =	ssyncadd.tile.s32 @!p0 $0x1;
	_ =	shalt  }
.Lfunc_end2:
_tile_overlayer_lowered:
.L_overlay_start_2:
0xdd: {  	(tag) =	ssettag $0x2  }
0xde: {  	s0 =	rddreg [dreg:$0x0];
	s2 =	stileid.u32  }
0xdf: {  	s1 =	rddreg [dreg:$0x1];
	p0 =	sne.s32 s2, $0x0  }
0xe0: {  	s3 =	rddreg [dreg:$0x2];
	[bflag:$0x3] =	sbarrier.arrive $0xFFFF;
	s2 =	simm.s32 @!p0 $0x1C02  }
0xe1: {  	[timem:s3], [sflag:s2] =	dma.local @!p0 [hbm:s0], s1  }
0xe2: {  	s0 =	simm.s32 @!p0 $0x2  }
0xe3: {  	_ =	swait.ge @!p0 [sflag:s0], s1  }
0xe4: {  	s1 =	ssub.s32 @!p0 $0x0, s1;
	[sflag:s0] =	ssyncset.done @!p0 $0x0  }
0xe5: {  	[sflag:s0] =	ssyncadd.s32 @!p0 s1  }
0xe6: {  	[bflag:$0x3] =	sbarrier.arrive $0xFFFF  }
0xe7: {  	_ =	shalt  }

// kernel: kernel.7.cloned.1.call-start
scs
__scs_entry_jumppad:
0x0: {  	(pc) =	sbr.rel $0x88, $3  }
0x1: {  	(tag) =	ssettag $0x0;
	lr =	simm.s32 $0x1  }
0x2: {  	[smem:$0x3F96] =	sst lr;
	_ =	strace $0xD0000000  }
0x3: {  	_ = 	snop  }
0x4: {  	_ = 	snop  }
0x5: {  	_ = 	snop  }
0x6: {  	_ = 	snop  }
0x7: {  	_ = 	snop  }
__scs_overlays_trampoline_lowered:
0x8: {  	[smem:$0x3FA5] =	sst s0  }
0x9: {  	[smem:$0x3FA6] =	sst s1  }
0xa: {  	[smem:$0x3FA7] =	sst s2  }
0xb: {  	[smem:$0x3FA8] =	sst s3  }
0xc: {  	[smem:$0x3FA9] =	sst s4  }
0xd: {  	[smem:$0x3FAA] =	sst s5  }
0xe: {  	[smem:$0x3FAB] =	sst s6  }
0xf: {  	[smem:$0x3FAC] =	sst s7  }
0x10: {  	[smem:$0x3FAD] =	sst s8  }
0x11: {  	[smem:$0x3FAE] =	sst s9;
	s0 =	simm.s32 @!p0 $0x0  }
0x12: {  	s1 =	sld [smem:$0x3F94];
	s0 =	simm.s32 @p0 $0x1  }
0x13: {  	[smem:$0x3FAF] =	sst s0;
	s0 =	simm.s32 @!p1 $0x0  }
0x14: {  	s2 =	sld [smem:$0x3F93];
	s0 =	simm.s32 @p1 $0x1  }
0x15: {  	[smem:$0x3FB0] =	sst s0;
	s0 =	simm.s32 @!p2 $0x0  }
0x16: {  	s3 =	sld [smem:$0x3FDB];
	s0 =	simm.s32 @p2 $0x1  }
0x17: {  	s4 =	simm.s32 $0x1BF5;
	[smem:$0x3FB2] =	sst s0  }
0x18: {  	s0 =	sld [smem:$0x3F95];
	_ =	swait.ge [sflag:s4], $0x0  }
0x19: {  	s7 =	sld [smem:$0x3F96]  }
0x1a: {  	s8 =	sadd.s32 $0xFFFFE003, lr  }
0x1b: {  	s9 =	sadd.s32 $0xFFFFFEF7, lr;
	s5 =	simm.s32 $0xFFFFFFFF;
	p2 =	slt.u32 s8, $0xFFFFF086  }
0x1c: {  	p1 =	slt.u32 s9, $0xF7A;
	s5 =	simm.s32 @!p2 $0x0  }
0x1d: {  	s5 =	simm.s32 @p1 $0x1;
	p0 =	seq.s32 s7, s2  }
0x1e: {  	s7 =	smul.u32 @!p0 $0xF7A, s2;
	p2 =	seq.s32 @!p0 s5, $0x0  }
0x1f: {  	s9 =	smul.u32 $0xF7A, s1;
	s8 =	simm.s32 @!p0 $0x1BF5;
	p2 =	por !p2, p0  }
0x20: {  	[sflag:s8] =	ssyncset.s32 @!p0 $0xFFFFF086;
	s6 =	sadd.s32 @!p0 s3, s7;
	s7 =	simm.s32 @!p0 $0x108  }
0x21: {  	s3 =	sadd.s32 s3, s9;
	s6 =	sadd.s32 @!p0 $0x88, s6;
	s7 =	simm.s32 @p2 $0x1082  }
0x22: {  	[simem:s7], [sflag:s8] =	dma.local @!p0 [hbm:s6], $0xF7A  }
0x23: {  	s9 =	sor.u32 $0xD0000000, s2;
	s6 =	simm.s32 $0x108;
	_ =	swait.ge @!p0 [sflag:s8], $0x0  }
0x24: {  	s3 =	sadd.s32 $0x88, s3;
	s6 =	simm.s32 @!p1 $0x1082;
	[sflag:s4] =	ssyncset.s32 $0xFFFFF086  }
0x25: {  	[simem:s6], [sflag:s4] =	dma.local [hbm:s3], $0xF7A  }
0x26: {  	[smem:$0x3F96] =	sst s1;
	(tag) =	ssettag s2;
	_ =	strace s9  }
0x27: {  	s1 =	sld [smem:$0x3FA6]  }
0x28: {  	s2 =	sld [smem:$0x3FA7]  }
0x29: {  	s4 =	sld [smem:$0x3FA9]  }
0x2a: {  	p0 =	seq.s32 s5, $0x0;
	s5 =	sld [smem:$0x3FAA]  }
0x2b: {  	s6 =	sld [smem:$0x3FAB]  }
0x2c: {  	s7 =	sld [smem:$0x3FAC]  }
0x2d: {  	s3 =	simm.s32 $0x108;
	s8 =	sld [smem:$0x3FAD]  }
0x2e: {  	s3 =	simm.s32 @!p0 $0x1082;
	s9 =	sld [smem:$0x3FAE]  }
0x2f: {  	lr =	sadd.s32 s0, s3;
	s0 =	sld [smem:$0x3FA5]  }
0x30: {  	s3 =	sld [smem:$0x3FA8]  }
0x31: {  	[smem:$0x3FB1] =	sst s10  }
0x32: {  	s10 =	sld [smem:$0x3FAF];
	_ =	sdelay $0x3  }
0x33: {  	p0 =	seq.s32 s10, $0x1;
	s10 =	sld [smem:$0x3FB1];
	_ =	sdelay $0x3  }
0x34: {  	[smem:$0x3FB1] =	sst s10  }
0x35: {  	s10 =	sld [smem:$0x3FB0];
	_ =	sdelay $0x3  }
0x36: {  	p1 =	seq.s32 s10, $0x1;
	s10 =	sld [smem:$0x3FB1];
	_ =	sdelay $0x3  }
0x37: {  	[smem:$0x3FB1] =	sst s10  }
0x38: {  	s10 =	sld [smem:$0x3FB2]  }
0x39: {  	_ = 	snop;
	(pc) =	sbr.ind lr, $3  }
0x3a: {  	_ = 	snop  }
0x3b: {  	_ = 	snop  }
0x3c: {  	p2 =	seq.s32 s10, $0x1;
	s10 =	sld [smem:$0x3FB1]  }
0x3d: {  	_ =	shalt  }
0x3e: {  	_ =	shalt  }
0x3f: {  	_ =	shalt  }
0x40: {  	_ =	shalt  }
0x41: {  	_ =	shalt  }
0x42: {  	_ =	shalt  }
0x43: {  	_ =	shalt  }
0x44: {  	_ =	shalt  }
0x45: {  	_ =	shalt  }
0x46: {  	_ =	shalt  }
0x47: {  	_ =	shalt  }
0x48: {  	_ =	shalt  }
0x49: {  	_ =	shalt  }
0x4a: {  	_ =	shalt  }
0x4b: {  	_ =	shalt  }
0x4c: {  	_ =	shalt  }
0x4d: {  	_ =	shalt  }
0x4e: {  	_ =	shalt  }
0x4f: {  	_ =	shalt  }
0x50: {  	_ =	shalt  }
0x51: {  	_ =	shalt  }
0x52: {  	_ =	shalt  }
0x53: {  	_ =	shalt  }
0x54: {  	_ =	shalt  }
0x55: {  	_ =	shalt  }
0x56: {  	_ =	shalt  }
0x57: {  	_ =	shalt  }
0x58: {  	_ =	shalt  }
0x59: {  	_ =	shalt  }
0x5a: {  	_ =	shalt  }
0x5b: {  	_ =	shalt  }
0x5c: {  	_ =	shalt  }
0x5d: {  	_ =	shalt  }
0x5e: {  	_ =	shalt  }
0x5f: {  	_ =	shalt  }
0x60: {  	_ =	shalt  }
0x61: {  	_ =	shalt  }
0x62: {  	_ =	shalt  }
0x63: {  	_ =	shalt  }
0x64: {  	_ =	shalt  }
0x65: {  	_ =	shalt  }
0x66: {  	_ =	shalt  }
0x67: {  	_ =	shalt  }
0x68: {  	_ =	shalt  }
0x69: {  	_ =	shalt  }
0x6a: {  	_ =	shalt  }
0x6b: {  	_ =	shalt  }
0x6c: {  	_ =	shalt  }
0x6d: {  	_ =	shalt  }
0x6e: {  	_ =	shalt  }
0x6f: {  	_ =	shalt  }
0x70: {  	_ =	shalt  }
0x71: {  	_ =	shalt  }
0x72: {  	_ =	shalt  }
0x73: {  	_ =	shalt  }
0x74: {  	_ =	shalt  }
0x75: {  	_ =	shalt  }
0x76: {  	_ =	shalt  }
0x77: {  	_ =	shalt  }
0x78: {  	_ =	shalt  }
0x79: {  	_ =	shalt  }
0x7a: {  	_ =	shalt  }
0x7b: {  	_ =	shalt  }
0x7c: {  	_ =	shalt  }
0x7d: {  	_ =	shalt  }
0x7e: {  	_ =	shalt  }
0x7f: {  	_ =	shalt  }
0x80: {  	_ =	shalt  }
0x81: {  	_ =	shalt  }
0x82: {  	_ =	shalt  }
0x83: {  	_ =	shalt  }
0x84: {  	_ =	shalt  }
0x85: {  	_ =	shalt  }
0x86: {  	_ =	shalt  }
0x87: {  	_ =	shalt  }
.Lfunc_end0:
.L_simem_size_0:
called_computation_lowered:
.L_overlay_start_0:
0x88: {  	s2 =	sld [smem:$0x3FD9]  }
0x89: {  	s3 =	sld [smem:$0x3FFE];
	_ =	sdelay $0x1  }
0x8a: {  	s1 =	srdreg.scid  }
0x8b: {  	s0 =	sand.u32 $0x1, s1  }
0x8c: {  	s17 =	sshll.u32 s0, $0xA;
	s2 =	sadd.s32 s3, s2  }
0x8d: {  	s2 =	sadd.s32 s2, s17  }
0x8e: {  	[smem:$0x3FBD] =	sst s2  }
0x8f: {  	_ = 	snop  }
0x90: {  	s2 =	sld [smem:$0x3FC9];
	(tm) =	ssettm $0x1  }
0x91: {  	s18 =	sld [smem:$0x3FFB];
	_ =	sdelay $0x3  }
0x92: {  	_ =	strace s18  }
0x93: {  	s3 =	sld [smem:$0x3FFC];
	_ =	sdelay $0x3  }
0x94: {  	_ =	strace s3  }
0x95: {  	s3 =	sld [smem:$0x3FFD];
	_ =	sdelay $0x3  }
0x96: {  	_ =	strace s3  }
0x97: {  	_ =	strace $0x8FFFFFFF  }
0x98: {  	s19 =	sld [smem:$0x3FDB];
	_ =	sdelay $0x1  }
0x99: {  	s4 =	simm.s32 $_scs_section_size  }
0x9a: {  	s5 =	simm.s32 $_size__tile_overlayer_lowered;
	s6 =	simm.s32 $_tile_overlayer_lowered  }
0x9b: {  	s22 =	simm.s32 $0x1BFF;
	s21 =	sshll.u32 s6, $0x1;
	s3 =	sadd.s32 s4, s19  }
0x9c: {  	s7 =	simm.s32 $0x0;
	s20 =	sshll.u32 s5, $0x1;
	s5 =	sadd.s32 s21, s3  }
0x9d: {  	[timem:s7], [sflag:s22] =	dma.local [hbm:s5], s20  }
0x9e: {  	_ =	swait.ge [sflag:s22], s20  }
0x9f: {  	s4 =	ssub.s32 $0x0, s20;
	[sflag:s22] =	ssyncset.done $0x0  }
0xa0: {  	[sflag:s22] =	ssyncadd.s32 s4;
	_ =	sdelay $0x1  }
0xa1: {  	s23 =	simm.s32 $0x1B8B  }
0xa2: {  	_ =	swait.ge [sflag:s23], $0x1  }
0xa3: {  	[sflag:s23] =	ssyncset.done $0x0  }
0xa4: {  	s25 =	simm.s32 $0x1B8E;
	s24 =	sld [smem:$0x3FFE];
	[sflag:s23] =	ssyncadd.s32 $0xFFFFFFFF  }
0xa5: {  	s26 =	simm.s32 $execute0_lowered;
	[smem:$0x3FD2] =	sst s25  }
0xa6: {  	s5 =	sshll.u32 s26, $0x1;
	_ =	strace $0x80000046;
	[dreg:$0x1] =	wrdreg $0xFFFFFFFF  }
0xa7: {  	s28 =	simm.s32 $_size_execute0_lowered;
	s3 =	sadd.s32 s3, s5;
	[dreg:$0x0] =	wrdreg $0x0  }
0xa8: {  	s5 =	sshll.u32 s28, $0x1;
	[dreg:$0x2] =	wrdreg s3  }
0xa9: {  	[dreg:$0x3] =	wrdreg s5  }
0xaa: {  	[dreg:$0x4] =	wrdreg $0xC0  }
0xab: {  	_ =	task [dreg:s7], $0x5FFFF  }
0xac: {  	[dreg:$0x1] =	wrdreg $0xFFFFFFFF  }
0xad: {  	[dreg:$0x0] =	wrdreg $0x60  }
0xae: {  	[dreg:$0x2] =	wrdreg s2  }
0xaf: {  	[dreg:$0x3] =	wrdreg s24  }
0xb0: {  	[dreg:$0x4] =	wrdreg $0x9  }
0xb1: {  	_ =	task.clear_ibuf [dreg:s7], $0x5FFFF;
	_ =	strace $0x90000046  }
0xb2: {  	s29 =	simm.s32 $0x9;
	_ =	strace $0x80000048  }
0xb3: {  	_ =	swait.ge [sflag:s29], $0x1  }
0xb4: {  	[sflag:s29] =	ssyncadd.s32 $0xFFFFFFFF  }
0xb5: {  	_ =	strace $0x90000048  }
0xb6: {  	_ =	sfence  }
0xb7: {  	s30 =	sld [smem:$0x0];
	_ =	sdelay $0x2  }
0xb8: {  	s31 =	sshll.u32 s1, $0xD;
	s1 =	sshrl.u32 s1, $0x2  }
0xb9: {  	s3 =	sand.u32 $0x4000, s31;
	s1 =	sadd.s32 s1, s30  }
0xba: {  	s0 =	sor.u32 s3, s0;
	s1 =	sshll.u32 s1, $0x11  }
0xbb: {  	s0 =	sor.u32 s1, s0  }
0xbc: {  	s0 =	sadd.s32 $0x8F2B, s0  }
0xbd: {  	[sflag:s0] =	ssyncadd.remote.s32 $0x1  }
0xbe: {  	_ =	sfence.sel $0xFFFF  }
0xbf: {  	[dreg:$0x0] =	wrdreg $0xFFFFFFFF;
	(pc) =	sbr.abs _section_cstart, $3  }
0xc0: {  	[dreg:$0x1] =	wrdreg $0xFFFFFFFF  }
0xc1: {  	_ =	task.clear_ibuf [dreg:s7], $0x2FFFF;
	_ =	strace $0x9FFFFFFF  }
0xc2: {  	(tm) =	ssettm $0x7FFFFFFF  }
0xc3: {  	_ =	shalt  }
tec
execute0_lowered:
.L_overlay_start_1:
0x0: {  	(tag) =	ssettag $0x1  }
0x1: {  	s0 =	rddreg [dreg:$0x0]  }
0x2: {  	s1 =	rddreg [dreg:$0x1]  }
0x3: {  	s2 =	srdreg.scid;
	s3 =	stileid.u32  }
0x4: {  	s26 =	simm.s32 $0x80;
	s8 =	simm.s32 $0x100;
	s11 =	simm.s32 $0x1900  }
0x5: {  	s12 =	simm.s32 $0x2100;
	s13 =	simm.s32 $0x2900;
	s14 =	simm.s32 $0x3100  }
0x6: {  	s15 =	simm.s32 $0x3900;
	s16 =	simm.s32 $0x4100;
	s17 =	simm.s32 $0x4900  }
0x7: {  	s18 =	simm.s32 $0x5100;
	s19 =	simm.s32 $0x5900;
	s20 =	simm.s32 $0x6100  }
0x8: {  	s21 =	simm.s32 $0x6900;
	s22 =	simm.s32 $0x7100;
	s23 =	simm.s32 $0x7900  }
0x9: {  	s28 =	simm.s32 $0x9900;
	s29 =	simm.s32 $0xA100;
	s30 =	simm.s32 $0xA900  }
0xa: {  	s31 =	simm.s32 $0xB100;
	s4 =	sand.u32 $0x1, s2;
	s2 =	simm.s32 $0x0  }
0xb: {  	s3 =	sshll.u32 s3, $0x4;
	s5 =	sshll.u32 s4, $0x3;
	[smem:$0x7FF] =	sst s2  }
0xc: {  	s4 =	ssub.s32 $0x2, s4;
	s5 =	sor.u32 s5, s3;
	_ =	strace $0x80000047  }
0xd: {  	s3 =	sadd.s32 $0x11200, s1;
	s24 =	sshrl.u32 s4, $0x1;
	[dreg:$0x6] =	wrdreg s26  }
0xe: {  	s26 =	simm.s32 $0x9100;
	s6 =	sadd.s32 s5, s1;
	s5 =	smul.u32 $0x300, s5  }
0xf: {  	s25 =	ssub.s32 s4, s24;
	s4 =	sadd.s32 $0x11300, s1;
	s7 =	sadd.s32 $0x10E00, s6  }
0x10: {  	s24 =	simm.s32 $0x8100;
	s6 =	sadd.s32 $0x11000, s6;
	[dreg:$0x3] =	wrdreg s7  }
0x11: {  	v2 =	vlaneseq.u32;
	[dreg:$0x4] =	wrdreg s6;
	s0 =	sadd.s32 s0, s5;
	s5 =	sadd.s32 $0x11400, s1  }
0x12: {  	vm0 =	vmmov $0xffff;
	v1 =	vshrl.u32 v2, $0x3;
	s6 =	smax.u32 s25, $0x1;
	s7 =	simm.s32 $0x2;
	s25 =	simm.s32 $0x8900  }
0x13: {  	v0 =	vand.u32 $0x7, v2;
	v2 =	vor.u32 $0x8, v2;
	v1 =	vmul.u32 $0x8, v1;
	s1 =	simm.s32 $0x1;
	[dreg:$0x5] =	wrdreg s0;
	s0 =	simm.s32 $0xB900  }
.LBB2_1:
0x14: {  	s9 =	rddreg [dreg:$0x3]  }
0x15: {  	[tilespmem:s2], [sflag:$0x2] =	stream.linear.gather [hbm4b:s9+s2], $0x40, $0x38;
	[tilespmem:$0xC100] =	vst v63  }
0x16: {  	_ =	swait.ge [sflag:s7], $0x40  }
0x17: {  	s9 =	rddreg [dreg:$0x4];
	[sflag:s7] =	ssyncset.done $0x0  }
0x18: {  	s10 =	rddreg [dreg:$0x6];
	[sflag:s7] =	ssyncadd.s32 $0xFFFFFFC0  }
0x19: {  	[tilespmem:s10], [sflag:$0x2] =	stream.linear.gather [hbm4b:s9+s2], $0x40, $0x38;
	[tilespmem:$0xC100] =	vst v63  }
0x1a: {  	_ =	swait.ge [sflag:s7], $0x40  }
0x1b: {  	[sflag:s7] =	ssyncset.done $0x0  }
0x1c: {  	s10 =	rddreg [dreg:$0x5];
	[sflag:s7] =	ssyncadd.s32 $0xFFFFFFC0  }
0x1d: {  	[tilespmem:s8], [sflag:$0x2] =	stream.linear.gather [hbm4b:s10+s2], $0xC000, $0x38;
	[tilespmem:$0xC100] =	vst v63  }
0x1e: {  	_ =	swait.ge [sflag:s7], $0xC000  }
0x1f: {  	[sflag:s7] =	ssyncset.done $0x0  }
0x20: {  	[sflag:s7] =	ssyncadd.s32 $0xFFFF4000  }
0x21: {  	v3 =	vld [tilespmem:$0x0];
	_ =	sdelay $0x4  }
0x22: {  	v4 =	vshrl.u32 v3, $0x3  }
0x23: {  	v4 =	vmul.u32 $0x30, v4  }
0x24: {  	v3 =	vand.u32 $0x7, v3  }
0x25: {  	v3 =	vor.u32 v3, v4  }
0x26: {  	v4 =	vperm.xlane v3, v0;
	_ =	sdelay $0x1  }
0x27: {  	v4 =	vadd.s32 v1, v4;
	_ =	sdelay $0x3  }
0x28: {  	v3 =	vperm.xlane v3, v2  }
0x29: {  	[hbm4b:s3+s2] =	stream.indirect_vreg.scatter [tilespmem:s8], [sflag:$0x1], $0x80, v4, vm0, $0xb8;
	[tilespmem:$0xC100] =	vst v63  }
0x2a: {  	s9 =	simm.s32 $0x900;
	v3 =	vadd.s32 v1, v3  }
0x2b: {  	[hbm4b:s4+s2] =	stream.indirect_vreg.scatter [tilespmem:s9], [sflag:$0x1], $0x80, v4, vm0, $0xb8;
	[tilespmem:$0xC100] =	vst v63  }
0x2c: {  	s10 =	simm.s32 $0x1100  }
0x2d: {  	[hbm4b:s5+s2] =	stream.indirect_vreg.scatter [tilespmem:s10], [sflag:$0x1], $0x80, v4, vm0, $0xb8;
	[tilespmem:$0xC100] =	vst v63  }
0x2e: {  	_ = 	snop  }
0x2f: {  	[hbm4b:s3+s2] =	stream.indirect_vreg.scatter [tilespmem:s11], [sflag:$0x1], $0x80, v3, vm0, $0xb8;
	[tilespmem:$0xC100] =	vst v63  }
0x30: {  	_ = 	snop  }
0x31: {  	[hbm4b:s4+s2] =	stream.indirect_vreg.scatter [tilespmem:s12], [sflag:$0x1], $0x80, v3, vm0, $0xb8;
	[tilespmem:$0xC100] =	vst v63  }
0x32: {  	_ = 	snop  }
0x33: {  	[hbm4b:s5+s2] =	stream.indirect_vreg.scatter [tilespmem:s13], [sflag:$0x1], $0x80, v3, vm0, $0xb8;
	[tilespmem:$0xC100] =	vst v63  }
0x34: {  	v3 =	vld [tilespmem:$0x10];
	_ =	sdelay $0x4  }
0x35: {  	v57 =	vshrl.u32 v3, $0x3  }
0x36: {  	v4 =	vmul.u32 $0x30, v57  }
0x37: {  	v3 =	vand.u32 $0x7, v3  }
0x38: {  	v3 =	vor.u32 v3, v4  }
0x39: {  	v4 =	vperm.xlane v3, v0;
	_ =	sdelay $0x1  }
0x3a: {  	v4 =	vadd.s32 v1, v4;
	_ =	sdelay $0x3  }
0x3b: {  	v3 =	vperm.xlane v3, v2  }
0x3c: {  	[hbm4b:s3+s2] =	stream.indirect_vreg.scatter [tilespmem:s14], [sflag:$0x1], $0x80, v4, vm0, $0xb8;
	[tilespmem:$0xC100] =	vst v63  }
0x3d: {  	v3 =	vadd.s32 v1, v3  }
0x3e: {  	[hbm4b:s4+s2] =	stream.indirect_vreg.scatter [tilespmem:s15], [sflag:$0x1], $0x80, v4, vm0, $0xb8;
	[tilespmem:$0xC100] =	vst v63  }
0x3f: {  	_ = 	snop  }
0x40: {  	[hbm4b:s5+s2] =	stream.indirect_vreg.scatter [tilespmem:s16], [sflag:$0x1], $0x80, v4, vm0, $0xb8;
	[tilespmem:$0xC100] =	vst v63  }
0x41: {  	_ = 	snop  }
0x42: {  	[hbm4b:s3+s2] =	stream.indirect_vreg.scatter [tilespmem:s17], [sflag:$0x1], $0x80, v3, vm0, $0xb8;
	[tilespmem:$0xC100] =	vst v63  }
0x43: {  	_ = 	snop  }
0x44: {  	[hbm4b:s4+s2] =	stream.indirect_vreg.scatter [tilespmem:s18], [sflag:$0x1], $0x80, v3, vm0, $0xb8;
	[tilespmem:$0xC100] =	vst v63  }
0x45: {  	_ = 	snop  }
0x46: {  	[hbm4b:s5+s2] =	stream.indirect_vreg.scatter [tilespmem:s19], [sflag:$0x1], $0x80, v3, vm0, $0xb8;
	[tilespmem:$0xC100] =	vst v63  }
0x47: {  	v3 =	vld [tilespmem:$0x20];
	_ =	sdelay $0x4  }
0x48: {  	v58 =	vshrl.u32 v3, $0x3  }
0x49: {  	v4 =	vmul.u32 $0x30, v58  }
0x4a: {  	v3 =	vand.u32 $0x7, v3  }
0x4b: {  	v3 =	vor.u32 v3, v4  }
0x4c: {  	v4 =	vperm.xlane v3, v0;
	_ =	sdelay $0x1  }
0x4d: {  	v4 =	vadd.s32 v1, v4;
	_ =	sdelay $0x3  }
0x4e: {  	v3 =	vperm.xlane v3, v2  }
0x4f: {  	[hbm4b:s3+s2] =	stream.indirect_vreg.scatter [tilespmem:s20], [sflag:$0x1], $0x80, v4, vm0, $0xb8;
	[tilespmem:$0xC100] =	vst v63  }
0x50: {  	v3 =	vadd.s32 v1, v3  }
0x51: {  	[hbm4b:s4+s2] =	stream.indirect_vreg.scatter [tilespmem:s21], [sflag:$0x1], $0x80, v4, vm0, $0xb8;
	[tilespmem:$0xC100] =	vst v63  }
0x52: {  	_ = 	snop  }
0x53: {  	[hbm4b:s5+s2] =	stream.indirect_vreg.scatter [tilespmem:s22], [sflag:$0x1], $0x80, v4, vm0, $0xb8;
	[tilespmem:$0xC100] =	vst v63  }
0x54: {  	_ = 	snop  }
0x55: {  	[hbm4b:s3+s2] =	stream.indirect_vreg.scatter [tilespmem:s23], [sflag:$0x1], $0x80, v3, vm0, $0xb8;
	[tilespmem:$0xC100] =	vst v63  }
0x56: {  	_ = 	snop  }
0x57: {  	[hbm4b:s4+s2] =	stream.indirect_vreg.scatter [tilespmem:s24], [sflag:$0x1], $0x80, v3, vm0, $0xb8;
	[tilespmem:$0xC100] =	vst v63  }
0x58: {  	_ = 	snop  }
0x59: {  	[hbm4b:s5+s2] =	stream.indirect_vreg.scatter [tilespmem:s25], [sflag:$0x1], $0x80, v3, vm0, $0xb8;
	[tilespmem:$0xC100] =	vst v63  }
0x5a: {  	v3 =	vld [tilespmem:$0x30];
	_ =	sdelay $0x4  }
0x5b: {  	v59 =	vshrl.u32 v3, $0x3  }
0x5c: {  	v4 =	vmul.u32 $0x30, v59  }
0x5d: {  	v3 =	vand.u32 $0x7, v3  }
0x5e: {  	v3 =	vor.u32 v3, v4  }
0x5f: {  	v4 =	vperm.xlane v3, v0;
	_ =	sdelay $0x1  }
0x60: {  	v4 =	vadd.s32 v1, v4;
	_ =	sdelay $0x3  }
0x61: {  	v3 =	vperm.xlane v3, v2  }
0x62: {  	[hbm4b:s3+s2] =	stream.indirect_vreg.scatter [tilespmem:s26], [sflag:$0x1], $0x80, v4, vm0, $0xb8;
	[tilespmem:$0xC100] =	vst v63  }
0x63: {  	v3 =	vadd.s32 v1, v3  }
0x64: {  	[hbm4b:s4+s2] =	stream.indirect_vreg.scatter [tilespmem:s28], [sflag:$0x1], $0x80, v4, vm0, $0xb8;
	[tilespmem:$0xC100] =	vst v63  }
0x65: {  	_ = 	snop  }
0x66: {  	[hbm4b:s5+s2] =	stream.indirect_vreg.scatter [tilespmem:s29], [sflag:$0x1], $0x80, v4, vm0, $0xb8;
	[tilespmem:$0xC100] =	vst v63  }
0x67: {  	_ = 	snop  }
0x68: {  	[hbm4b:s3+s2] =	stream.indirect_vreg.scatter [tilespmem:s30], [sflag:$0x1], $0x80, v3, vm0, $0xb8;
	[tilespmem:$0xC100] =	vst v63  }
0x69: {  	_ = 	snop  }
0x6a: {  	[hbm4b:s4+s2] =	stream.indirect_vreg.scatter [tilespmem:s31], [sflag:$0x1], $0x80, v3, vm0, $0xb8;
	[tilespmem:$0xC100] =	vst v63  }
0x6b: {  	_ = 	snop  }
0x6c: {  	[hbm4b:s5+s2] =	stream.indirect_vreg.scatter [tilespmem:s0], [sflag:$0x1], $0x80, v3, vm0, $0xb8;
	[tilespmem:$0xC100] =	vst v63  }
0x6d: {  	v3 =	vld [tilespmem:$0x80];
	_ =	sdelay $0x4  }
0x6e: {  	v60 =	vshrl.u32 v3, $0x3  }
0x6f: {  	v4 =	vmul.u32 $0x30, v60  }
0x70: {  	v3 =	vand.u32 $0x7, v3  }
0x71: {  	v3 =	vor.u32 v3, v4  }
0x72: {  	v4 =	vperm.xlane v3, v0;
	_ =	sdelay $0x1  }
0x73: {  	v4 =	vadd.s32 v1, v4;
	_ =	sdelay $0x3  }
0x74: {  	v3 =	vperm.xlane v3, v2  }
0x75: {  	[hbm4b:s3+s2] =	stream.indirect_vreg.scatter [tilespmem:s8], [sflag:$0x1], $0x80, v4, vm0, $0xb8;
	[tilespmem:$0xC100] =	vst v63  }
0x76: {  	v3 =	vadd.s32 v1, v3  }
0x77: {  	[hbm4b:s4+s2] =	stream.indirect_vreg.scatter [tilespmem:s9], [sflag:$0x1], $0x80, v4, vm0, $0xb8;
	[tilespmem:$0xC100] =	vst v63  }
0x78: {  	_ = 	snop  }
0x79: {  	[hbm4b:s5+s2] =	stream.indirect_vreg.scatter [tilespmem:s10], [sflag:$0x1], $0x80, v4, vm0, $0xb8;
	[tilespmem:$0xC100] =	vst v63  }
0x7a: {  	_ = 	snop  }
0x7b: {  	[hbm4b:s3+s2] =	stream.indirect_vreg.scatter [tilespmem:s11], [sflag:$0x1], $0x80, v3, vm0, $0xb8;
	[tilespmem:$0xC100] =	vst v63  }
0x7c: {  	_ = 	snop  }
0x7d: {  	[hbm4b:s4+s2] =	stream.indirect_vreg.scatter [tilespmem:s12], [sflag:$0x1], $0x80, v3, vm0, $0xb8;
	[tilespmem:$0xC100] =	vst v63  }
0x7e: {  	_ = 	snop  }
0x7f: {  	[hbm4b:s5+s2] =	stream.indirect_vreg.scatter [tilespmem:s13], [sflag:$0x1], $0x80, v3, vm0, $0xb8;
	[tilespmem:$0xC100] =	vst v63  }
0x80: {  	v3 =	vld [tilespmem:$0x90];
	_ =	sdelay $0x4  }
0x81: {  	v61 =	vshrl.u32 v3, $0x3  }
0x82: {  	v4 =	vmul.u32 $0x30, v61  }
0x83: {  	v3 =	vand.u32 $0x7, v3  }
0x84: {  	v3 =	vor.u32 v3, v4  }
0x85: {  	v4 =	vperm.xlane v3, v0;
	_ =	sdelay $0x1  }
0x86: {  	v4 =	vadd.s32 v1, v4;
	_ =	sdelay $0x3  }
0x87: {  	v3 =	vperm.xlane v3, v2  }
0x88: {  	[hbm4b:s3+s2] =	stream.indirect_vreg.scatter [tilespmem:s14], [sflag:$0x1], $0x80, v4, vm0, $0xb8;
	[tilespmem:$0xC100] =	vst v63  }
0x89: {  	v3 =	vadd.s32 v1, v3  }
0x8a: {  	[hbm4b:s4+s2] =	stream.indirect_vreg.scatter [tilespmem:s15], [sflag:$0x1], $0x80, v4, vm0, $0xb8;
	[tilespmem:$0xC100] =	vst v63  }
0x8b: {  	_ = 	snop  }
0x8c: {  	[hbm4b:s5+s2] =	stream.indirect_vreg.scatter [tilespmem:s16], [sflag:$0x1], $0x80, v4, vm0, $0xb8;
	[tilespmem:$0xC100] =	vst v63  }
0x8d: {  	_ = 	snop  }
0x8e: {  	[hbm4b:s3+s2] =	stream.indirect_vreg.scatter [tilespmem:s17], [sflag:$0x1], $0x80, v3, vm0, $0xb8;
	[tilespmem:$0xC100] =	vst v63  }
0x8f: {  	_ = 	snop  }
0x90: {  	[hbm4b:s4+s2] =	stream.indirect_vreg.scatter [tilespmem:s18], [sflag:$0x1], $0x80, v3, vm0, $0xb8;
	[tilespmem:$0xC100] =	vst v63  }
0x91: {  	_ = 	snop  }
0x92: {  	[hbm4b:s5+s2] =	stream.indirect_vreg.scatter [tilespmem:s19], [sflag:$0x1], $0x80, v3, vm0, $0xb8;
	[tilespmem:$0xC100] =	vst v63  }
0x93: {  	v3 =	vld [tilespmem:$0xA0];
	_ =	sdelay $0x4  }
0x94: {  	v62 =	vshrl.u32 v3, $0x3  }
0x95: {  	v4 =	vmul.u32 $0x30, v62  }
0x96: {  	v3 =	vand.u32 $0x7, v3  }
0x97: {  	v3 =	vor.u32 v3, v4  }
0x98: {  	v4 =	vperm.xlane v3, v0;
	_ =	sdelay $0x1  }
0x99: {  	v4 =	vadd.s32 v1, v4;
	_ =	sdelay $0x3  }
0x9a: {  	v3 =	vperm.xlane v3, v2  }
0x9b: {  	[hbm4b:s3+s2] =	stream.indirect_vreg.scatter [tilespmem:s20], [sflag:$0x1], $0x80, v4, vm0, $0xb8;
	[tilespmem:$0xC100] =	vst v63  }
0x9c: {  	v3 =	vadd.s32 v1, v3  }
0x9d: {  	[hbm4b:s4+s2] =	stream.indirect_vreg.scatter [tilespmem:s21], [sflag:$0x1], $0x80, v4, vm0, $0xb8;
	[tilespmem:$0xC100] =	vst v63  }
0x9e: {  	_ = 	snop  }
0x9f: {  	[hbm4b:s5+s2] =	stream.indirect_vreg.scatter [tilespmem:s22], [sflag:$0x1], $0x80, v4, vm0, $0xb8;
	[tilespmem:$0xC100] =	vst v63  }
0xa0: {  	_ = 	snop  }
0xa1: {  	[hbm4b:s3+s2] =	stream.indirect_vreg.scatter [tilespmem:s23], [sflag:$0x1], $0x80, v3, vm0, $0xb8;
	[tilespmem:$0xC100] =	vst v63  }
0xa2: {  	_ = 	snop  }
0xa3: {  	[hbm4b:s4+s2] =	stream.indirect_vreg.scatter [tilespmem:s24], [sflag:$0x1], $0x80, v3, vm0, $0xb8;
	[tilespmem:$0xC100] =	vst v63  }
0xa4: {  	_ = 	snop  }
0xa5: {  	[hbm4b:s5+s2] =	stream.indirect_vreg.scatter [tilespmem:s25], [sflag:$0x1], $0x80, v3, vm0, $0xb8;
	[tilespmem:$0xC100] =	vst v63  }
0xa6: {  	v3 =	vld [tilespmem:$0xB0];
	_ =	sdelay $0x4  }
0xa7: {  	v63 =	vshrl.u32 v3, $0x3  }
0xa8: {  	v4 =	vmul.u32 $0x30, v63  }
0xa9: {  	v3 =	vand.u32 $0x7, v3  }
0xaa: {  	v3 =	vor.u32 v3, v4  }
0xab: {  	v4 =	vperm.xlane v3, v0;
	_ =	sdelay $0x1  }
0xac: {  	v4 =	vadd.s32 v1, v4;
	_ =	sdelay $0x3  }
0xad: {  	v3 =	vperm.xlane v3, v2  }
0xae: {  	[hbm4b:s3+s2] =	stream.indirect_vreg.scatter [tilespmem:s26], [sflag:$0x1], $0x80, v4, vm0, $0xb8;
	[tilespmem:$0xC100] =	vst v63  }
0xaf: {  	v3 =	vadd.s32 v1, v3  }
0xb0: {  	[hbm4b:s4+s2] =	stream.indirect_vreg.scatter [tilespmem:s28], [sflag:$0x1], $0x80, v4, vm0, $0xb8;
	[tilespmem:$0xC100] =	vst v63  }
0xb1: {  	_ = 	snop  }
0xb2: {  	[hbm4b:s5+s2] =	stream.indirect_vreg.scatter [tilespmem:s29], [sflag:$0x1], $0x80, v4, vm0, $0xb8;
	[tilespmem:$0xC100] =	vst v63  }
0xb3: {  	_ = 	snop  }
0xb4: {  	[hbm4b:s3+s2] =	stream.indirect_vreg.scatter [tilespmem:s30], [sflag:$0x1], $0x80, v3, vm0, $0xb8;
	[tilespmem:$0xC100] =	vst v63  }
0xb5: {  	_ = 	snop  }
0xb6: {  	[hbm4b:s4+s2] =	stream.indirect_vreg.scatter [tilespmem:s31], [sflag:$0x1], $0x80, v3, vm0, $0xb8;
	[tilespmem:$0xC100] =	vst v63  }
0xb7: {  	_ = 	snop  }
0xb8: {  	[hbm4b:s5+s2] =	stream.indirect_vreg.scatter [tilespmem:s0], [sflag:$0x1], $0x80, v3, vm0, $0xb8;
	[tilespmem:$0xC100] =	vst v63  }
0xb9: {  	p0 =	sne.s32 s6, $0x1;
	_ =	swait.ge [sflag:s1], $0xC000  }
.Ltmp0:
0xba: {  	[sflag:s1] =	ssyncset.done $0x0;
	(pc) =	sbr.rel @p0 .LBB2_1-.Ltmp0, $4  }
0xbb: {  	[sflag:s1] =	ssyncadd.s32 $0xFFFF4000  }
0xbc: {  	_ =	swait.ge [sflag:s1], $0xC000  }
0xbd: {  	[sflag:s1] =	ssyncset.done $0x0  }
0xbe: {  	s6 =	sadd.s32 $0xFFFFFFFF, s6;
	[sflag:s1] =	ssyncadd.s32 $0xFFFF4000  }
0xbf: {  	_ =	sfence.sel $0x180000  }
0xc0: {  	[bflag:$0x0] =	sbarrier.arrive $0xFFFF  }
0xc1: {  	_ =	strace $0x90000047  }
0xc2: {  	s0 =	stileid.u32;
	[bflag:$0x2] =	sbarrier.arrive $0xFFFF  }
0xc3: {  	p0 =	sne.s32 s0, $0x0;
	s0 =	rddreg [dreg:$0x2]  }
0xc4: {  	s0 =	sadd.s32 @!p0 $0x100000, s0  }
0xc5: {  	[sflag:s0] =	ssyncadd.tile.s32 @!p0 $0x1;
	_ =	shalt  }
.Lfunc_end2:
_tile_overlayer_lowered:
.L_overlay_start_2:
0xc6: {  	(tag) =	ssettag $0x2  }
0xc7: {  	s0 =	rddreg [dreg:$0x0];
	s2 =	stileid.u32  }
0xc8: {  	s1 =	rddreg [dreg:$0x1];
	p0 =	sne.s32 s2, $0x0  }
0xc9: {  	s3 =	rddreg [dreg:$0x2];
	[bflag:$0x3] =	sbarrier.arrive $0xFFFF;
	s2 =	simm.s32 @!p0 $0x1C02  }
0xca: {  	[timem:s3], [sflag:s2] =	dma.local @!p0 [hbm:s0], s1  }
0xcb: {  	s0 =	simm.s32 @!p0 $0x2  }
0xcc: {  	_ =	swait.ge @!p0 [sflag:s0], s1  }
0xcd: {  	s1 =	ssub.s32 @!p0 $0x0, s1;
	[sflag:s0] =	ssyncset.done @!p0 $0x0  }
0xce: {  	[sflag:s0] =	ssyncadd.s32 @!p0 s1  }
0xcf: {  	[bflag:$0x3] =	sbarrier.arrive $0xFFFF  }
0xd0: {  	_ =	shalt  }

</sc_bundles>
